<compile_context>
chip_gen: v7x
topology: tpu7x:2x2x1
jax: 0.10.2.dev20260603
libtpu: 0.0.44.dev20260713+nightly
codegen_flags: <defaults>
</compile_context>

<pallas_src>
import functools

import jax
import jax.numpy as jnp
from jax import lax
from jax.experimental import pallas as pl
from jax.experimental.pallas import tpu as pltpu
from jax.experimental.pallas import tpu_sc as plsc

DIM = 1024
E = 16
TOPK = 2
N_GROUPS = 4
GROUP_SZ = E // N_GROUPS
TOPK_GROUPS = 2
MOE_INTER = 1024
ROUTE_SCALE = 2.5
T = 2048
CAPACITY = 512

BUF_ROWS = 8192 + 128
TRASH_BASE = 8192

SC_CORES = 2
SC_SUBCORES = 16
SC_WORKERS = SC_CORES * SC_SUBCORES
TOK_PER_W = T // SC_WORKERS


def _gate_body(x_ref, gw_ref, da_ref, ca_ref, wv_ref, cnt_ref):
    x = x_ref[...]
    gw = gw_ref[...]
    logits = lax.dot_general(x, gw, (((1,), (1,)), ((), ())),
                             preferred_element_type=jnp.float32)
    scores = jax.nn.sigmoid(logits)

    lane = lax.broadcasted_iota(jnp.int32, (T, E), 1)
    group_of_lane = lane // GROUP_SZ

    gmax = []
    for g in range(N_GROUPS):
        m = jnp.max(jnp.where(group_of_lane == g, scores, -jnp.inf),
                    axis=1, keepdims=True)
        gmax.append(m)
    sel = []
    for g in range(N_GROUPS):
        rank = jnp.zeros_like(gmax[g])
        for h in range(N_GROUPS):
            if h == g:
                continue
            beats = (gmax[h] > gmax[g]) | ((gmax[h] == gmax[g]) & (h < g))
            rank = rank + beats.astype(jnp.float32)
        sel.append(rank < TOPK_GROUPS)
    group_mask = jnp.zeros((T, E), dtype=jnp.bool_)
    for g in range(N_GROUPS):
        group_mask = group_mask | (sel[g] & (group_of_lane == g))

    ms = jnp.where(group_mask, scores, 0.0)

    BIG = jnp.int32(999)
    v1 = jnp.max(ms, axis=1, keepdims=True)
    i1 = jnp.min(jnp.where(ms == v1, lane, BIG), axis=1, keepdims=True)
    ms2 = jnp.where(lane == i1, -1.0, ms)
    v2 = jnp.max(ms2, axis=1, keepdims=True)
    i2 = jnp.min(jnp.where(ms2 == v2, lane, BIG), axis=1, keepdims=True)

    w1 = jnp.sum(jnp.where(lane == i1, scores, 0.0), axis=1, keepdims=True)
    w2 = jnp.sum(jnp.where(lane == i2, scores, 0.0), axis=1, keepdims=True)
    denom = w1 + w2
    w1n = w1 / denom * ROUTE_SCALE
    w2n = w2 / denom * ROUTE_SCALE

    oh1 = (lane == i1).astype(jnp.float32)
    oh2 = (lane == i2).astype(jnp.float32)
    oh = oh1 + oh2
    CH = 256
    r = lax.broadcasted_iota(jnp.int32, (CH, CH), 0)
    c = lax.broadcasted_iota(jnp.int32, (CH, CH), 1)
    ltri = (c < r).astype(jnp.bfloat16)
    ohb = oh.astype(jnp.bfloat16)
    carry = jnp.zeros((1, E), jnp.float32)
    chunks = []
    for b in range(T // CH):
        chunk = ohb[b * CH:(b + 1) * CH, :]
        chunks.append(jnp.dot(ltri, chunk,
                              preferred_element_type=jnp.float32) + carry)
        carry = carry + jnp.sum(chunk.astype(jnp.float32), axis=0,
                                keepdims=True)
    cum_excl = jnp.concatenate(chunks, axis=0)

    pos1 = jnp.sum(jnp.where(lane == i1, cum_excl, 0.0), axis=1, keepdims=True)
    pos2 = jnp.sum(jnp.where(lane == i2, cum_excl, 0.0), axis=1, keepdims=True)
    pos1 = pos1.astype(jnp.int32)
    pos2 = pos2.astype(jnp.int32)

    valid1 = pos1 < CAPACITY
    valid2 = pos2 < CAPACITY
    pc1 = jnp.minimum(pos1, CAPACITY - 1)
    pc2 = jnp.minimum(pos2, CAPACITY - 1)
    ca1 = i1 * CAPACITY + pc1
    ca2 = i2 * CAPACITY + pc2

    trow = lax.broadcasted_iota(jnp.int32, (T, 1), 0)
    trash = TRASH_BASE + (trow & 7)
    da1 = jnp.where(valid1, ca1, trash)
    da2 = jnp.where(valid2, ca2, trash)

    da_ref[...] = jnp.concatenate([da1, da2], axis=1)
    ca_ref[...] = jnp.concatenate([ca1, ca2], axis=1)
    wv_ref[...] = jnp.concatenate(
        [jnp.where(valid1, w1n, 0.0), jnp.where(valid2, w2n, 0.0)], axis=1)
    cnt_ref[...] = jnp.sum(oh, axis=0, keepdims=True).astype(jnp.int32)


def _gate_call(x, gate_w):
    return pl.pallas_call(
        _gate_body,
        out_shape=[
            jax.ShapeDtypeStruct((T, TOPK), jnp.int32),
            jax.ShapeDtypeStruct((T, TOPK), jnp.int32),
            jax.ShapeDtypeStruct((T, TOPK), jnp.float32),
            jax.ShapeDtypeStruct((1, E), jnp.int32),
        ],
        compiler_params=pltpu.CompilerParams(
            vmem_limit_bytes=60 * 1024 * 1024),
    )(x, gate_w)


HC = TOK_PER_W // 2


def _dispatch_sc(x, da1, da2):
    mesh = plsc.VectorSubcoreMesh(core_axis_name="c", subcore_axis_name="s")

    @functools.partial(
        pl.kernel,
        out_type=jax.ShapeDtypeStruct((BUF_ROWS, DIM), jnp.float32),
        mesh=mesh,
        scratch_types=[
            pltpu.VMEM((HC,), jnp.int32),
            pltpu.VMEM((HC,), jnp.int32),
            pltpu.VMEM((HC,), jnp.int32),
            pltpu.VMEM((HC,), jnp.int32),
            pltpu.VMEM((HC, DIM), jnp.float32),
            pltpu.VMEM((HC, DIM), jnp.float32),
            pltpu.SemaphoreType.DMA,
            pltpu.SemaphoreType.DMA,
            pltpu.SemaphoreType.DMA,
        ],
    )
    def k(x_hbm, da1_hbm, da2_hbm, buf_hbm,
          i1a, i1b, i2a, i2b, ra, rb, sa, sb, ss):
        wid = lax.axis_index("s") * SC_CORES + lax.axis_index("c")
        base = wid * TOK_PER_W
        la = pltpu.async_copy(x_hbm.at[pl.ds(base, HC)], ra, sa)
        lb = pltpu.async_copy(x_hbm.at[pl.ds(base + HC, HC)], rb, sb)
        pltpu.sync_copy(da1_hbm.at[pl.ds(base, HC)], i1a)
        pltpu.sync_copy(da1_hbm.at[pl.ds(base + HC, HC)], i1b)
        pltpu.sync_copy(da2_hbm.at[pl.ds(base, HC)], i2a)
        pltpu.sync_copy(da2_hbm.at[pl.ds(base + HC, HC)], i2b)
        la.wait()
        s1 = pltpu.async_copy(ra, buf_hbm.at[i1a], ss)
        s2 = pltpu.async_copy(ra, buf_hbm.at[i2a], ss)
        lb.wait()
        s3 = pltpu.async_copy(rb, buf_hbm.at[i1b], ss)
        s4 = pltpu.async_copy(rb, buf_hbm.at[i2b], ss)
        s1.wait()
        s2.wait()
        s3.wait()
        s4.wait()

    return k(x, da1, da2)


def _shared_body(x_ref, ws1_ref, ws3_ref, ws2_ref, z_ref):
    xb = x_ref[...].astype(jnp.bfloat16)
    nt = (((1,), (1,)), ((), ()))
    h = lax.dot_general(xb, ws1_ref[...].astype(jnp.bfloat16), nt,
                        preferred_element_type=jnp.float32)
    g = lax.dot_general(xb, ws3_ref[...].astype(jnp.bfloat16), nt,
                        preferred_element_type=jnp.float32)
    a = (jax.nn.silu(h) * g).astype(jnp.bfloat16)
    z_ref[...] = lax.dot_general(a, ws2_ref[...].astype(jnp.bfloat16), nt,
                                 preferred_element_type=jnp.float32)


def _shared_call(x, ws1, ws3, ws2):
    BT = 512
    return pl.pallas_call(
        _shared_body,
        grid=(T // BT,),
        in_specs=[
            pl.BlockSpec((BT, DIM), lambda i: (i, 0)),
            pl.BlockSpec(ws1.shape, lambda i: (0, 0)),
            pl.BlockSpec(ws3.shape, lambda i: (0, 0)),
            pl.BlockSpec(ws2.shape, lambda i: (0, 0)),
        ],
        out_specs=pl.BlockSpec((BT, DIM), lambda i: (i, 0)),
        out_shape=jax.ShapeDtypeStruct((T, DIM), jnp.float32),
        compiler_params=pltpu.CompilerParams(
            vmem_limit_bytes=60 * 1024 * 1024),
    )(x, ws1, ws3, ws2)


FFN_BM = 64


def _ffn_body(cnt_ref, buf_ref, w1_ref, w3_ref, w2_ref, out_ref):
    e = pl.program_id(0)
    c = jnp.minimum(cnt_ref[0, e], CAPACITY)
    nb = (c + FFN_BM - 1) // FFN_BM

    @pl.when(nb > 0)
    def _():
        w1b = w1_ref[0].astype(jnp.bfloat16)
        w3b = w3_ref[0].astype(jnp.bfloat16)
        w2b = w2_ref[0].astype(jnp.bfloat16)
        nt = (((1,), (1,)), ((), ()))

        def make_branch(m_rows):
            def br():
                xb = buf_ref[0:m_rows, :].astype(jnp.bfloat16)
                h = lax.dot_general(xb, w1b, nt,
                                    preferred_element_type=jnp.float32)
                g = lax.dot_general(xb, w3b, nt,
                                    preferred_element_type=jnp.float32)
                a = (jax.nn.silu(h) * g).astype(jnp.bfloat16)
                out_ref[0:m_rows, :] = lax.dot_general(
                    a, w2b, nt, preferred_element_type=jnp.float32)
            return br

        lax.switch(nb - 1,
                   [make_branch(m * FFN_BM)
                    for m in range(1, CAPACITY // FFN_BM + 1)])


def _ffn_call(counts, buf, w1, w3, w2):
    grid_spec = pltpu.PrefetchScalarGridSpec(
        num_scalar_prefetch=1,
        grid=(E,),
        in_specs=[
            pl.BlockSpec((CAPACITY, DIM), lambda e, cnt: (e, 0)),
            pl.BlockSpec((1, MOE_INTER, DIM), lambda e, cnt: (e, 0, 0)),
            pl.BlockSpec((1, MOE_INTER, DIM), lambda e, cnt: (e, 0, 0)),
            pl.BlockSpec((1, DIM, MOE_INTER), lambda e, cnt: (e, 0, 0)),
        ],
        out_specs=pl.BlockSpec((CAPACITY, DIM), lambda e, cnt: (e, 0)),
    )
    return pl.pallas_call(
        _ffn_body,
        grid_spec=grid_spec,
        out_shape=jax.ShapeDtypeStruct((E * CAPACITY, DIM), jnp.float32),
        compiler_params=pltpu.CompilerParams(
            vmem_limit_bytes=60 * 1024 * 1024,
            dimension_semantics=("arbitrary",)),
    )(counts, buf, w1, w3, w2)


def _gather_sc(out_buf, ca1, ca2):
    mesh = plsc.VectorSubcoreMesh(core_axis_name="c", subcore_axis_name="s")

    @functools.partial(
        pl.kernel,
        out_type=[
            jax.ShapeDtypeStruct((T, DIM), jnp.float32),
            jax.ShapeDtypeStruct((T, DIM), jnp.float32),
        ],
        mesh=mesh,
        scratch_types=[
            pltpu.VMEM((HC,), jnp.int32),
            pltpu.VMEM((HC,), jnp.int32),
            pltpu.VMEM((HC,), jnp.int32),
            pltpu.VMEM((HC,), jnp.int32),
            pltpu.VMEM((HC, DIM), jnp.float32),
            pltpu.VMEM((HC, DIM), jnp.float32),
            pltpu.SemaphoreType.DMA,
            pltpu.SemaphoreType.DMA,
        ],
    )
    def k(ob_hbm, ca1_hbm, ca2_hbm, g1_hbm, g2_hbm,
          iA, iB, iC, iD, ra, rb, sg, sw):
        wid = lax.axis_index("s") * SC_CORES + lax.axis_index("c")
        base = wid * TOK_PER_W
        pltpu.sync_copy(ca1_hbm.at[pl.ds(base, HC)], iA)
        pltpu.sync_copy(ca1_hbm.at[pl.ds(base + HC, HC)], iB)
        pltpu.sync_copy(ca2_hbm.at[pl.ds(base, HC)], iC)
        pltpu.sync_copy(ca2_hbm.at[pl.ds(base + HC, HC)], iD)
        gA = pltpu.async_copy(ob_hbm.at[iA], ra, sg)
        gC = pltpu.async_copy(ob_hbm.at[iC], rb, sg)
        gA.wait()
        wA = pltpu.async_copy(ra, g1_hbm.at[pl.ds(base, HC)], sw)
        gC.wait()
        wC = pltpu.async_copy(rb, g2_hbm.at[pl.ds(base, HC)], sw)
        wA.wait()
        gB = pltpu.async_copy(ob_hbm.at[iB], ra, sg)
        wC.wait()
        gD = pltpu.async_copy(ob_hbm.at[iD], rb, sg)
        gB.wait()
        wB = pltpu.async_copy(ra, g1_hbm.at[pl.ds(base + HC, HC)], sw)
        gD.wait()
        wD = pltpu.async_copy(rb, g2_hbm.at[pl.ds(base + HC, HC)], sw)
        wB.wait()
        wD.wait()

    return k(out_buf, ca1, ca2)


def _combine_body(z_ref, g1_ref, g2_ref, wv_ref, y_ref):
    wv = wv_ref[...]
    y_ref[...] = (z_ref[...]
                  + wv[:, 0:1] * g1_ref[...]
                  + wv[:, 1:2] * g2_ref[...])


def _combine_call(z, g1, g2, wv):
    BT = 512
    return pl.pallas_call(
        _combine_body,
        grid=(T // BT,),
        in_specs=[
            pl.BlockSpec((BT, DIM), lambda i: (i, 0)),
            pl.BlockSpec((BT, DIM), lambda i: (i, 0)),
            pl.BlockSpec((BT, DIM), lambda i: (i, 0)),
            pl.BlockSpec((BT, TOPK), lambda i: (i, 0)),
        ],
        out_specs=pl.BlockSpec((BT, DIM), lambda i: (i, 0)),
        out_shape=jax.ShapeDtypeStruct((T, DIM), jnp.float32),
        compiler_params=pltpu.CompilerParams(
            vmem_limit_bytes=60 * 1024 * 1024),
    )(z, g1, g2, wv)


def kernel(x, gate_w, w1, w2, w3, ws1, ws2, ws3):
    da, ca, wv, counts = _gate_call(x, gate_w)
    buf = _dispatch_sc(x, da[:, 0], da[:, 1])
    z = _shared_call(x, ws1, ws3, ws2)
    out_buf = _ffn_call(counts, buf, w1, w3, w2)
    g1, g2 = _gather_sc(out_buf, ca[:, 0], ca[:, 1])
    return _combine_call(z, g1, g2, wv)

# --- scband reference (transcript-rebuilt; emitter-appended) ---
"""Pipeline reference for scband-mo-edeep-seek-v3-22153441312859 (READ-ONLY COPY).

The authoritative reference and input builder live on the scoring server;
editing this copy changes nothing except your own understanding.
"""

import jax, jax.numpy as jnp
import numpy as np

DIM = 1024
E = 16
TOPK = 2
N_GROUPS = 4
TOPK_GROUPS = 2
MOE_INTER = 1024
N_SHARED = 1
ROUTE_SCALE = 2.5
T = 2048
CAPACITY = 512  # ~2x expected tokens-per-expert (T*TOPK/E = 256); overflow prob ~0 for random routing


def setup_inputs(seed: int = 0) -> dict:
    key = jax.random.key(seed)
    ks = jax.random.split(key, 9)
    s = 0.02
    shared_inter = N_SHARED * MOE_INTER
    x = jax.random.normal(ks[0], (T, DIM), dtype=jnp.float32)
    gate_w = jax.random.normal(ks[1], (E, DIM), dtype=jnp.float32) * s
    w1 = jax.random.normal(ks[2], (E, MOE_INTER, DIM), dtype=jnp.float32) * s
    w3 = jax.random.normal(ks[3], (E, MOE_INTER, DIM), dtype=jnp.float32) * s
    w2 = jax.random.normal(ks[4], (E, DIM, MOE_INTER), dtype=jnp.float32) * s
    ws1 = jax.random.normal(ks[5], (shared_inter, DIM), dtype=jnp.float32) * s
    ws3 = jax.random.normal(ks[6], (shared_inter, DIM), dtype=jnp.float32) * s
    ws2 = jax.random.normal(ks[7], (DIM, shared_inter), dtype=jnp.float32) * s
    return {"x": x, "gate_w": gate_w, "w1": w1, "w2": w2, "w3": w3, "ws1": ws1, "ws2": ws2, "ws3": ws3}


def reference(x, gate_w, w1, w2, w3, ws1, ws2, ws3):
    Tn, D = x.shape
    # ---- GateDeepSeekV3 (sigmoid score, no bias since dim != 7168) ----
    scores = jax.nn.sigmoid(x @ gate_w.T)  # [T, E]
    original_scores = scores
    sg = scores.reshape(Tn, N_GROUPS, E // N_GROUPS)
    group_scores = sg.max(axis=-1)  # amax, bias is None
    _, gidx = jax.lax.top_k(group_scores, TOPK_GROUPS)  # [T, topk_groups]
    gmask = jnp.zeros((Tn, N_GROUPS), dtype=scores.dtype).at[jnp.arange(Tn)[:, None], gidx].set(1.0)
    scores = (sg * gmask[:, :, None]).reshape(Tn, E)
    _, indices = jax.lax.top_k(scores, TOPK)  # [T, k]
    weights = jnp.take_along_axis(original_scores, indices, axis=-1)
    weights = weights / jnp.sum(weights, axis=-1, keepdims=True)  # sigmoid normalization
    weights = weights * ROUTE_SCALE
    weights = weights.astype(x.dtype)
    # ---- Routed experts: capacity-buffered dispatch (dropless in practice) ----
    S = Tn * TOPK
    flat_e = indices.reshape(S)
    flat_t = jnp.repeat(jnp.arange(Tn), TOPK)
    flat_w = weights.reshape(S)
    onehot = jax.nn.one_hot(flat_e, E, dtype=jnp.int32)  # [S, E]
    pos = (jnp.cumsum(onehot, axis=0) * onehot).sum(-1) - 1  # position within expert
    valid = (pos < CAPACITY).astype(x.dtype)
    pc = jnp.clip(pos, 0, CAPACITY - 1)
    buf = jnp.zeros((E, CAPACITY, D), dtype=x.dtype).at[flat_e, pc].add(x[flat_t] * valid[:, None])
    # expert MLP: w2 @ (silu(w1 x) * (w3 x))
    h = jnp.einsum('ecd,efd->ecf', buf, w1)
    g = jnp.einsum('ecd,efd->ecf', buf, w3)
    a = jax.nn.silu(h) * g
    out_buf = jnp.einsum('ecf,edf->ecd', a, w2)
    slot_out = out_buf[flat_e, pc] * valid[:, None]  # [S, D]
    y = jnp.zeros((Tn, D), dtype=x.dtype).at[flat_t].add(slot_out * flat_w[:, None])
    # ---- Shared expert (always-on) ----
    z = (jax.nn.silu(x @ ws1.T) * (x @ ws3.T)) @ ws2.T
    return y + z

if __name__ == "__main__":
    import jax
    _d = setup_inputs()
    print(jax.jit(kernel)(*tuple(_d.values())))

</pallas_src>

<mosaic_0001>
#map = affine_map<(d0, d1) -> (0, 0)>
#map1 = affine_map<(d0, d1) -> (0)>
module attributes {stable_mosaic.version = 14 : i64} {
  func.func @k(%arg0: i32, %arg1: i32, %arg2: memref<8192x1024xf32, #tpu.memory_space<hbm>>, %arg3: memref<2048xi32, #tpu.memory_space<hbm>>, %arg4: memref<2048xi32, #tpu.memory_space<hbm>>, %arg5: memref<2048x1024xf32, #tpu.memory_space<hbm>>, %arg6: memref<2048x1024xf32, #tpu.memory_space<hbm>>, %arg7: memref<32xi32, #tpu.memory_space<vmem>>, %arg8: memref<32xi32, #tpu.memory_space<vmem>>, %arg9: memref<32xi32, #tpu.memory_space<vmem>>, %arg10: memref<32xi32, #tpu.memory_space<vmem>>, %arg11: memref<32x1024xf32, #tpu.memory_space<vmem>>, %arg12: memref<32x1024xf32, #tpu.memory_space<vmem>>, %arg13: memref<!tpu.dma_semaphore, #tpu.memory_space<semaphore_mem>>, %arg14: memref<!tpu.dma_semaphore, #tpu.memory_space<semaphore_mem>>) attributes {dimension_semantics = [#tpu.dimension_semantics<core_parallel>, #tpu.dimension_semantics<subcore_parallel>], iteration_bounds = array<i64: 2, 16>, scalar_prefetch = 0 : i64, scratch_operands = 8 : i64, tpu.core_type = #tpu.core_type<sc_vector_subcore>, window_params = [{transform_indices = #map}, {transform_indices = #map1}, {transform_indices = #map1}, {transform_indices = #map}, {transform_indices = #map}]} {
    %mul3A = arith.constant 2 : i32
    %mul3A_0 = arith.muli %arg1, %mul3A : i32
    %add3A = arith.addi %mul3A_0, %arg0 : i32
    %mul3A_1 = arith.constant 64 : i32
    %mul3A_2 = arith.muli %add3A, %mul3A_1 : i32
    "tpu.region"() ({
      %run_scoped3A = tpu.sem_alloc : memref<!tpu.dma_semaphore, #tpu.memory_space<semaphore_mem>>
      %dma_start3A_65 = tpu.memref_slice %arg3[%mul3A_2] : memref<2048xi32, #tpu.memory_space<hbm>> -> memref<32xi32, #tpu.memory_space<hbm>>
      %dma_start3A_66 = tpu.memref_slice %arg3[%mul3A_2] : memref<2048xi32, #tpu.memory_space<hbm>> -> memref<32xi32, #tpu.memory_space<hbm>>
      tpu.enqueue_dma source(%dma_start3A_66 : memref<32xi32, #tpu.memory_space<hbm>>) target(%arg7 : memref<32xi32, #tpu.memory_space<vmem>>) target_semaphore(%run_scoped3A : memref<!tpu.dma_semaphore, #tpu.memory_space<semaphore_mem>>)
      %dma_wait3A_67 = tpu.memref_slice %arg3[%mul3A_2] : memref<2048xi32, #tpu.memory_space<hbm>> -> memref<32xi32, #tpu.memory_space<hbm>>
      %dma_wait3A_68 = tpu.memref_slice %arg3[%mul3A_2] : memref<2048xi32, #tpu.memory_space<hbm>> -> memref<32xi32, #tpu.memory_space<hbm>>
      tpu.wait_dma2 semaphore(%run_scoped3A : memref<!tpu.dma_semaphore, #tpu.memory_space<semaphore_mem>>) src(%dma_wait3A_68 : memref<32xi32, #tpu.memory_space<hbm>>) dst(%arg7 : memref<32xi32, #tpu.memory_space<vmem>>)
      tpu.yield
    }) : () -> ()
    %add3A_3 = arith.constant 32 : i32
    %add3A_4 = arith.addi %mul3A_2, %add3A_3 : i32
    "tpu.region"() ({
      %run_scoped3A = tpu.sem_alloc : memref<!tpu.dma_semaphore, #tpu.memory_space<semaphore_mem>>
      %dma_start3A_65 = tpu.memref_slice %arg3[%add3A_4] : memref<2048xi32, #tpu.memory_space<hbm>> -> memref<32xi32, #tpu.memory_space<hbm>>
      %dma_start3A_66 = tpu.memref_slice %arg3[%add3A_4] : memref<2048xi32, #tpu.memory_space<hbm>> -> memref<32xi32, #tpu.memory_space<hbm>>
      tpu.enqueue_dma source(%dma_start3A_66 : memref<32xi32, #tpu.memory_space<hbm>>) target(%arg8 : memref<32xi32, #tpu.memory_space<vmem>>) target_semaphore(%run_scoped3A : memref<!tpu.dma_semaphore, #tpu.memory_space<semaphore_mem>>)
      %dma_wait3A_67 = tpu.memref_slice %arg3[%add3A_4] : memref<2048xi32, #tpu.memory_space<hbm>> -> memref<32xi32, #tpu.memory_space<hbm>>
      %dma_wait3A_68 = tpu.memref_slice %arg3[%add3A_4] : memref<2048xi32, #tpu.memory_space<hbm>> -> memref<32xi32, #tpu.memory_space<hbm>>
      tpu.wait_dma2 semaphore(%run_scoped3A : memref<!tpu.dma_semaphore, #tpu.memory_space<semaphore_mem>>) src(%dma_wait3A_68 : memref<32xi32, #tpu.memory_space<hbm>>) dst(%arg8 : memref<32xi32, #tpu.memory_space<vmem>>)
      tpu.yield
    }) : () -> ()
    "tpu.region"() ({
      %run_scoped3A = tpu.sem_alloc : memref<!tpu.dma_semaphore, #tpu.memory_space<semaphore_mem>>
      %dma_start3A_65 = tpu.memref_slice %arg4[%mul3A_2] : memref<2048xi32, #tpu.memory_space<hbm>> -> memref<32xi32, #tpu.memory_space<hbm>>
      %dma_start3A_66 = tpu.memref_slice %arg4[%mul3A_2] : memref<2048xi32, #tpu.memory_space<hbm>> -> memref<32xi32, #tpu.memory_space<hbm>>
      tpu.enqueue_dma source(%dma_start3A_66 : memref<32xi32, #tpu.memory_space<hbm>>) target(%arg9 : memref<32xi32, #tpu.memory_space<vmem>>) target_semaphore(%run_scoped3A : memref<!tpu.dma_semaphore, #tpu.memory_space<semaphore_mem>>)
      %dma_wait3A_67 = tpu.memref_slice %arg4[%mul3A_2] : memref<2048xi32, #tpu.memory_space<hbm>> -> memref<32xi32, #tpu.memory_space<hbm>>
      %dma_wait3A_68 = tpu.memref_slice %arg4[%mul3A_2] : memref<2048xi32, #tpu.memory_space<hbm>> -> memref<32xi32, #tpu.memory_space<hbm>>
      tpu.wait_dma2 semaphore(%run_scoped3A : memref<!tpu.dma_semaphore, #tpu.memory_space<semaphore_mem>>) src(%dma_wait3A_68 : memref<32xi32, #tpu.memory_space<hbm>>) dst(%arg9 : memref<32xi32, #tpu.memory_space<vmem>>)
      tpu.yield
    }) : () -> ()
    %add3A_5 = arith.constant 32 : i32
    %add3A_6 = arith.addi %mul3A_2, %add3A_5 : i32
    "tpu.region"() ({
      %run_scoped3A = tpu.sem_alloc : memref<!tpu.dma_semaphore, #tpu.memory_space<semaphore_mem>>
      %dma_start3A_65 = tpu.memref_slice %arg4[%add3A_6] : memref<2048xi32, #tpu.memory_space<hbm>> -> memref<32xi32, #tpu.memory_space<hbm>>
      %dma_start3A_66 = tpu.memref_slice %arg4[%add3A_6] : memref<2048xi32, #tpu.memory_space<hbm>> -> memref<32xi32, #tpu.memory_space<hbm>>
      tpu.enqueue_dma source(%dma_start3A_66 : memref<32xi32, #tpu.memory_space<hbm>>) target(%arg10 : memref<32xi32, #tpu.memory_space<vmem>>) target_semaphore(%run_scoped3A : memref<!tpu.dma_semaphore, #tpu.memory_space<semaphore_mem>>)
      %dma_wait3A_67 = tpu.memref_slice %arg4[%add3A_6] : memref<2048xi32, #tpu.memory_space<hbm>> -> memref<32xi32, #tpu.memory_space<hbm>>
      %dma_wait3A_68 = tpu.memref_slice %arg4[%add3A_6] : memref<2048xi32, #tpu.memory_space<hbm>> -> memref<32xi32, #tpu.memory_space<hbm>>
      tpu.wait_dma2 semaphore(%run_scoped3A : memref<!tpu.dma_semaphore, #tpu.memory_space<semaphore_mem>>) src(%dma_wait3A_68 : memref<32xi32, #tpu.memory_space<hbm>>) dst(%arg10 : memref<32xi32, #tpu.memory_space<vmem>>)
      tpu.yield
    }) : () -> ()
    %dma_start3A = arith.constant 0 : i32
    %dma_start3A_7 = arith.constant 0 : i32
    %dma_start3A_8 = tpu.memref_slice %arg2[%dma_start3A, %dma_start3A_7] : memref<8192x1024xf32, #tpu.memory_space<hbm>> -> memref<8192x1024xf32, #tpu.memory_space<hbm>>
    tpu.enqueue_indirect_dma source(%dma_start3A_8 : memref<8192x1024xf32, #tpu.memory_space<hbm>>) target(%arg11 : memref<32x1024xf32, #tpu.memory_space<vmem>>) offsets(%arg7 : memref<32xi32, #tpu.memory_space<vmem>>) semaphore(%arg13 : memref<!tpu.dma_semaphore, #tpu.memory_space<semaphore_mem>>)
    %dma_start3A_9 = arith.constant 0 : i32
    %dma_start3A_10 = arith.constant 0 : i32
    %dma_start3A_11 = tpu.memref_slice %arg2[%dma_start3A_9, %dma_start3A_10] : memref<8192x1024xf32, #tpu.memory_space<hbm>> -> memref<8192x1024xf32, #tpu.memory_space<hbm>>
    tpu.enqueue_indirect_dma source(%dma_start3A_11 : memref<8192x1024xf32, #tpu.memory_space<hbm>>) target(%arg12 : memref<32x1024xf32, #tpu.memory_space<vmem>>) offsets(%arg9 : memref<32xi32, #tpu.memory_space<vmem>>) semaphore(%arg13 : memref<!tpu.dma_semaphore, #tpu.memory_space<semaphore_mem>>)
    %dma_wait3A = arith.constant 0 : i32
    %dma_wait3A_12 = arith.constant 0 : i32
    %dma_wait3A_13 = tpu.memref_slice %arg2[%dma_wait3A, %dma_wait3A_12] : memref<8192x1024xf32, #tpu.memory_space<hbm>> -> memref<8192x1024xf32, #tpu.memory_space<hbm>>
    tpu.wait_indirect_dma semaphore(%arg13 : memref<!tpu.dma_semaphore, #tpu.memory_space<semaphore_mem>>) src(%dma_wait3A_13 : memref<8192x1024xf32, #tpu.memory_space<hbm>>) dst(%arg11 : memref<32x1024xf32, #tpu.memory_space<vmem>>)
    %dma_start3A_14 = arith.constant 0 : i32
    %dma_start3A_15 = tpu.memref_slice %arg5[%mul3A_2, %dma_start3A_14] : memref<2048x1024xf32, #tpu.memory_space<hbm>> -> memref<32x1024xf32, #tpu.memory_space<hbm>>
    %dma_start3A_16 = arith.constant 0 : i32
    %dma_start3A_17 = tpu.memref_slice %arg5[%mul3A_2, %dma_start3A_16] : memref<2048x1024xf32, #tpu.memory_space<hbm>> -> memref<32x1024xf32, #tpu.memory_space<hbm>>
    tpu.enqueue_dma source(%arg11 : memref<32x1024xf32, #tpu.memory_space<vmem>>) target(%dma_start3A_17 : memref<32x1024xf32, #tpu.memory_space<hbm>>) target_semaphore(%arg14 : memref<!tpu.dma_semaphore, #tpu.memory_space<semaphore_mem>>)
    %dma_wait3A_18 = arith.constant 0 : i32
    %dma_wait3A_19 = arith.constant 0 : i32
    %dma_wait3A_20 = tpu.memref_slice %arg2[%dma_wait3A_18, %dma_wait3A_19] : memref<8192x1024xf32, #tpu.memory_space<hbm>> -> memref<8192x1024xf32, #tpu.memory_space<hbm>>
    tpu.wait_indirect_dma semaphore(%arg13 : memref<!tpu.dma_semaphore, #tpu.memory_space<semaphore_mem>>) src(%dma_wait3A_20 : memref<8192x1024xf32, #tpu.memory_space<hbm>>) dst(%arg12 : memref<32x1024xf32, #tpu.memory_space<vmem>>)
    %dma_start3A_21 = arith.constant 0 : i32
    %dma_start3A_22 = tpu.memref_slice %arg6[%mul3A_2, %dma_start3A_21] : memref<2048x1024xf32, #tpu.memory_space<hbm>> -> memref<32x1024xf32, #tpu.memory_space<hbm>>
    %dma_start3A_23 = arith.constant 0 : i32
    %dma_start3A_24 = tpu.memref_slice %arg6[%mul3A_2, %dma_start3A_23] : memref<2048x1024xf32, #tpu.memory_space<hbm>> -> memref<32x1024xf32, #tpu.memory_space<hbm>>
    tpu.enqueue_dma source(%arg12 : memref<32x1024xf32, #tpu.memory_space<vmem>>) target(%dma_start3A_24 : memref<32x1024xf32, #tpu.memory_space<hbm>>) target_semaphore(%arg14 : memref<!tpu.dma_semaphore, #tpu.memory_space<semaphore_mem>>)
    %dma_wait3A_25 = arith.constant 0 : i32
    %dma_wait3A_26 = tpu.memref_slice %arg5[%mul3A_2, %dma_wait3A_25] : memref<2048x1024xf32, #tpu.memory_space<hbm>> -> memref<32x1024xf32, #tpu.memory_space<hbm>>
    %dma_wait3A_27 = arith.constant 0 : i32
    %dma_wait3A_28 = tpu.memref_slice %arg5[%mul3A_2, %dma_wait3A_27] : memref<2048x1024xf32, #tpu.memory_space<hbm>> -> memref<32x1024xf32, #tpu.memory_space<hbm>>
    tpu.wait_dma2 semaphore(%arg14 : memref<!tpu.dma_semaphore, #tpu.memory_space<semaphore_mem>>) src(%arg11 : memref<32x1024xf32, #tpu.memory_space<vmem>>) dst(%dma_wait3A_28 : memref<32x1024xf32, #tpu.memory_space<hbm>>)
    %dma_start3A_29 = arith.constant 0 : i32
    %dma_start3A_30 = arith.constant 0 : i32
    %dma_start3A_31 = tpu.memref_slice %arg2[%dma_start3A_29, %dma_start3A_30] : memref<8192x1024xf32, #tpu.memory_space<hbm>> -> memref<8192x1024xf32, #tpu.memory_space<hbm>>
    tpu.enqueue_indirect_dma source(%dma_start3A_31 : memref<8192x1024xf32, #tpu.memory_space<hbm>>) target(%arg11 : memref<32x1024xf32, #tpu.memory_space<vmem>>) offsets(%arg8 : memref<32xi32, #tpu.memory_space<vmem>>) semaphore(%arg13 : memref<!tpu.dma_semaphore, #tpu.memory_space<semaphore_mem>>)
    %dma_wait3A_32 = arith.constant 0 : i32
    %dma_wait3A_33 = tpu.memref_slice %arg6[%mul3A_2, %dma_wait3A_32] : memref<2048x1024xf32, #tpu.memory_space<hbm>> -> memref<32x1024xf32, #tpu.memory_space<hbm>>
    %dma_wait3A_34 = arith.constant 0 : i32
    %dma_wait3A_35 = tpu.memref_slice %arg6[%mul3A_2, %dma_wait3A_34] : memref<2048x1024xf32, #tpu.memory_space<hbm>> -> memref<32x1024xf32, #tpu.memory_space<hbm>>
    tpu.wait_dma2 semaphore(%arg14 : memref<!tpu.dma_semaphore, #tpu.memory_space<semaphore_mem>>) src(%arg12 : memref<32x1024xf32, #tpu.memory_space<vmem>>) dst(%dma_wait3A_35 : memref<32x1024xf32, #tpu.memory_space<hbm>>)
    %dma_start3A_36 = arith.constant 0 : i32
    %dma_start3A_37 = arith.constant 0 : i32
    %dma_start3A_38 = tpu.memref_slice %arg2[%dma_start3A_36, %dma_start3A_37] : memref<8192x1024xf32, #tpu.memory_space<hbm>> -> memref<8192x1024xf32, #tpu.memory_space<hbm>>
    tpu.enqueue_indirect_dma source(%dma_start3A_38 : memref<8192x1024xf32, #tpu.memory_space<hbm>>) target(%arg12 : memref<32x1024xf32, #tpu.memory_space<vmem>>) offsets(%arg10 : memref<32xi32, #tpu.memory_space<vmem>>) semaphore(%arg13 : memref<!tpu.dma_semaphore, #tpu.memory_space<semaphore_mem>>)
    %dma_wait3A_39 = arith.constant 0 : i32
    %dma_wait3A_40 = arith.constant 0 : i32
    %dma_wait3A_41 = tpu.memref_slice %arg2[%dma_wait3A_39, %dma_wait3A_40] : memref<8192x1024xf32, #tpu.memory_space<hbm>> -> memref<8192x1024xf32, #tpu.memory_space<hbm>>
    tpu.wait_indirect_dma semaphore(%arg13 : memref<!tpu.dma_semaphore, #tpu.memory_space<semaphore_mem>>) src(%dma_wait3A_41 : memref<8192x1024xf32, #tpu.memory_space<hbm>>) dst(%arg11 : memref<32x1024xf32, #tpu.memory_space<vmem>>)
    %add3A_42 = arith.constant 32 : i32
    %add3A_43 = arith.addi %mul3A_2, %add3A_42 : i32
    %dma_start3A_44 = arith.constant 0 : i32
    %dma_start3A_45 = tpu.memref_slice %arg5[%add3A_43, %dma_start3A_44] : memref<2048x1024xf32, #tpu.memory_space<hbm>> -> memref<32x1024xf32, #tpu.memory_space<hbm>>
    %dma_start3A_46 = arith.constant 0 : i32
    %dma_start3A_47 = tpu.memref_slice %arg5[%add3A_43, %dma_start3A_46] : memref<2048x1024xf32, #tpu.memory_space<hbm>> -> memref<32x1024xf32, #tpu.memory_space<hbm>>
    tpu.enqueue_dma source(%arg11 : memref<32x1024xf32, #tpu.memory_space<vmem>>) target(%dma_start3A_47 : memref<32x1024xf32, #tpu.memory_space<hbm>>) target_semaphore(%arg14 : memref<!tpu.dma_semaphore, #tpu.memory_space<semaphore_mem>>)
    %dma_wait3A_48 = arith.constant 0 : i32
    %dma_wait3A_49 = arith.constant 0 : i32
    %dma_wait3A_50 = tpu.memref_slice %arg2[%dma_wait3A_48, %dma_wait3A_49] : memref<8192x1024xf32, #tpu.memory_space<hbm>> -> memref<8192x1024xf32, #tpu.memory_space<hbm>>
    tpu.wait_indirect_dma semaphore(%arg13 : memref<!tpu.dma_semaphore, #tpu.memory_space<semaphore_mem>>) src(%dma_wait3A_50 : memref<8192x1024xf32, #tpu.memory_space<hbm>>) dst(%arg12 : memref<32x1024xf32, #tpu.memory_space<vmem>>)
    %add3A_51 = arith.constant 32 : i32
    %add3A_52 = arith.addi %mul3A_2, %add3A_51 : i32
    %dma_start3A_53 = arith.constant 0 : i32
    %dma_start3A_54 = tpu.memref_slice %arg6[%add3A_52, %dma_start3A_53] : memref<2048x1024xf32, #tpu.memory_space<hbm>> -> memref<32x1024xf32, #tpu.memory_space<hbm>>
    %dma_start3A_55 = arith.constant 0 : i32
    %dma_start3A_56 = tpu.memref_slice %arg6[%add3A_52, %dma_start3A_55] : memref<2048x1024xf32, #tpu.memory_space<hbm>> -> memref<32x1024xf32, #tpu.memory_space<hbm>>
    tpu.enqueue_dma source(%arg12 : memref<32x1024xf32, #tpu.memory_space<vmem>>) target(%dma_start3A_56 : memref<32x1024xf32, #tpu.memory_space<hbm>>) target_semaphore(%arg14 : memref<!tpu.dma_semaphore, #tpu.memory_space<semaphore_mem>>)
    %dma_wait3A_57 = arith.constant 0 : i32
    %dma_wait3A_58 = tpu.memref_slice %arg5[%add3A_43, %dma_wait3A_57] : memref<2048x1024xf32, #tpu.memory_space<hbm>> -> memref<32x1024xf32, #tpu.memory_space<hbm>>
    %dma_wait3A_59 = arith.constant 0 : i32
    %dma_wait3A_60 = tpu.memref_slice %arg5[%add3A_43, %dma_wait3A_59] : memref<2048x1024xf32, #tpu.memory_space<hbm>> -> memref<32x1024xf32, #tpu.memory_space<hbm>>
    tpu.wait_dma2 semaphore(%arg14 : memref<!tpu.dma_semaphore, #tpu.memory_space<semaphore_mem>>) src(%arg11 : memref<32x1024xf32, #tpu.memory_space<vmem>>) dst(%dma_wait3A_60 : memref<32x1024xf32, #tpu.memory_space<hbm>>)
    %dma_wait3A_61 = arith.constant 0 : i32
    %dma_wait3A_62 = tpu.memref_slice %arg6[%add3A_52, %dma_wait3A_61] : memref<2048x1024xf32, #tpu.memory_space<hbm>> -> memref<32x1024xf32, #tpu.memory_space<hbm>>
    %dma_wait3A_63 = arith.constant 0 : i32
    %dma_wait3A_64 = tpu.memref_slice %arg6[%add3A_52, %dma_wait3A_63] : memref<2048x1024xf32, #tpu.memory_space<hbm>> -> memref<32x1024xf32, #tpu.memory_space<hbm>>
    tpu.wait_dma2 semaphore(%arg14 : memref<!tpu.dma_semaphore, #tpu.memory_space<semaphore_mem>>) src(%arg12 : memref<32x1024xf32, #tpu.memory_space<vmem>>) dst(%dma_wait3A_64 : memref<32x1024xf32, #tpu.memory_space<hbm>>)
    return
  }
}

#map = affine_map<(d0, d1) -> (0, 0)>
#map1 = affine_map<(d0, d1) -> (0)>
module attributes {stable_mosaic.version = 14 : i64} {
  func.func @k(%arg0: i32, %arg1: i32, %arg2: memref<2048x1024xf32, #tpu.memory_space<hbm>>, %arg3: memref<2048xi32, #tpu.memory_space<hbm>>, %arg4: memref<2048xi32, #tpu.memory_space<hbm>>, %arg5: memref<8320x1024xf32, #tpu.memory_space<hbm>>, %arg6: memref<32xi32, #tpu.memory_space<vmem>>, %arg7: memref<32xi32, #tpu.memory_space<vmem>>, %arg8: memref<32xi32, #tpu.memory_space<vmem>>, %arg9: memref<32xi32, #tpu.memory_space<vmem>>, %arg10: memref<32x1024xf32, #tpu.memory_space<vmem>>, %arg11: memref<32x1024xf32, #tpu.memory_space<vmem>>, %arg12: memref<!tpu.dma_semaphore, #tpu.memory_space<semaphore_mem>>, %arg13: memref<!tpu.dma_semaphore, #tpu.memory_space<semaphore_mem>>, %arg14: memref<!tpu.dma_semaphore, #tpu.memory_space<semaphore_mem>>) attributes {dimension_semantics = [#tpu.dimension_semantics<core_parallel>, #tpu.dimension_semantics<subcore_parallel>], iteration_bounds = array<i64: 2, 16>, scalar_prefetch = 0 : i64, scratch_operands = 9 : i64, tpu.core_type = #tpu.core_type<sc_vector_subcore>, window_params = [{transform_indices = #map}, {transform_indices = #map1}, {transform_indices = #map1}, {transform_indices = #map}]} {
    %mul3A = arith.constant 2 : i32
    %mul3A_0 = arith.muli %arg1, %mul3A : i32
    %add3A = arith.addi %mul3A_0, %arg0 : i32
    %mul3A_1 = arith.constant 64 : i32
    %mul3A_2 = arith.muli %add3A, %mul3A_1 : i32
    %dma_start3A = arith.constant 0 : i32
    %dma_start3A_3 = tpu.memref_slice %arg2[%mul3A_2, %dma_start3A] : memref<2048x1024xf32, #tpu.memory_space<hbm>> -> memref<32x1024xf32, #tpu.memory_space<hbm>>
    %dma_start3A_4 = arith.constant 0 : i32
    %dma_start3A_5 = tpu.memref_slice %arg2[%mul3A_2, %dma_start3A_4] : memref<2048x1024xf32, #tpu.memory_space<hbm>> -> memref<32x1024xf32, #tpu.memory_space<hbm>>
    tpu.enqueue_dma source(%dma_start3A_5 : memref<32x1024xf32, #tpu.memory_space<hbm>>) target(%arg10 : memref<32x1024xf32, #tpu.memory_space<vmem>>) target_semaphore(%arg12 : memref<!tpu.dma_semaphore, #tpu.memory_space<semaphore_mem>>)
    %add3A_6 = arith.constant 32 : i32
    %add3A_7 = arith.addi %mul3A_2, %add3A_6 : i32
    %dma_start3A_8 = arith.constant 0 : i32
    %dma_start3A_9 = tpu.memref_slice %arg2[%add3A_7, %dma_start3A_8] : memref<2048x1024xf32, #tpu.memory_space<hbm>> -> memref<32x1024xf32, #tpu.memory_space<hbm>>
    %dma_start3A_10 = arith.constant 0 : i32
    %dma_start3A_11 = tpu.memref_slice %arg2[%add3A_7, %dma_start3A_10] : memref<2048x1024xf32, #tpu.memory_space<hbm>> -> memref<32x1024xf32, #tpu.memory_space<hbm>>
    tpu.enqueue_dma source(%dma_start3A_11 : memref<32x1024xf32, #tpu.memory_space<hbm>>) target(%arg11 : memref<32x1024xf32, #tpu.memory_space<vmem>>) target_semaphore(%arg13 : memref<!tpu.dma_semaphore, #tpu.memory_space<semaphore_mem>>)
    "tpu.region"() ({
      %run_scoped3A = tpu.sem_alloc : memref<!tpu.dma_semaphore, #tpu.memory_space<semaphore_mem>>
      %dma_start3A_47 = tpu.memref_slice %arg3[%mul3A_2] : memref<2048xi32, #tpu.memory_space<hbm>> -> memref<32xi32, #tpu.memory_space<hbm>>
      %dma_start3A_48 = tpu.memref_slice %arg3[%mul3A_2] : memref<2048xi32, #tpu.memory_space<hbm>> -> memref<32xi32, #tpu.memory_space<hbm>>
      tpu.enqueue_dma source(%dma_start3A_48 : memref<32xi32, #tpu.memory_space<hbm>>) target(%arg6 : memref<32xi32, #tpu.memory_space<vmem>>) target_semaphore(%run_scoped3A : memref<!tpu.dma_semaphore, #tpu.memory_space<semaphore_mem>>)
      %dma_wait3A_49 = tpu.memref_slice %arg3[%mul3A_2] : memref<2048xi32, #tpu.memory_space<hbm>> -> memref<32xi32, #tpu.memory_space<hbm>>
      %dma_wait3A_50 = tpu.memref_slice %arg3[%mul3A_2] : memref<2048xi32, #tpu.memory_space<hbm>> -> memref<32xi32, #tpu.memory_space<hbm>>
      tpu.wait_dma2 semaphore(%run_scoped3A : memref<!tpu.dma_semaphore, #tpu.memory_space<semaphore_mem>>) src(%dma_wait3A_50 : memref<32xi32, #tpu.memory_space<hbm>>) dst(%arg6 : memref<32xi32, #tpu.memory_space<vmem>>)
      tpu.yield
    }) : () -> ()
    %add3A_12 = arith.constant 32 : i32
    %add3A_13 = arith.addi %mul3A_2, %add3A_12 : i32
    "tpu.region"() ({
      %run_scoped3A = tpu.sem_alloc : memref<!tpu.dma_semaphore, #tpu.memory_space<semaphore_mem>>
      %dma_start3A_47 = tpu.memref_slice %arg3[%add3A_13] : memref<2048xi32, #tpu.memory_space<hbm>> -> memref<32xi32, #tpu.memory_space<hbm>>
      %dma_start3A_48 = tpu.memref_slice %arg3[%add3A_13] : memref<2048xi32, #tpu.memory_space<hbm>> -> memref<32xi32, #tpu.memory_space<hbm>>
      tpu.enqueue_dma source(%dma_start3A_48 : memref<32xi32, #tpu.memory_space<hbm>>) target(%arg7 : memref<32xi32, #tpu.memory_space<vmem>>) target_semaphore(%run_scoped3A : memref<!tpu.dma_semaphore, #tpu.memory_space<semaphore_mem>>)
      %dma_wait3A_49 = tpu.memref_slice %arg3[%add3A_13] : memref<2048xi32, #tpu.memory_space<hbm>> -> memref<32xi32, #tpu.memory_space<hbm>>
      %dma_wait3A_50 = tpu.memref_slice %arg3[%add3A_13] : memref<2048xi32, #tpu.memory_space<hbm>> -> memref<32xi32, #tpu.memory_space<hbm>>
      tpu.wait_dma2 semaphore(%run_scoped3A : memref<!tpu.dma_semaphore, #tpu.memory_space<semaphore_mem>>) src(%dma_wait3A_50 : memref<32xi32, #tpu.memory_space<hbm>>) dst(%arg7 : memref<32xi32, #tpu.memory_space<vmem>>)
      tpu.yield
    }) : () -> ()
    "tpu.region"() ({
      %run_scoped3A = tpu.sem_alloc : memref<!tpu.dma_semaphore, #tpu.memory_space<semaphore_mem>>
      %dma_start3A_47 = tpu.memref_slice %arg4[%mul3A_2] : memref<2048xi32, #tpu.memory_space<hbm>> -> memref<32xi32, #tpu.memory_space<hbm>>
      %dma_start3A_48 = tpu.memref_slice %arg4[%mul3A_2] : memref<2048xi32, #tpu.memory_space<hbm>> -> memref<32xi32, #tpu.memory_space<hbm>>
      tpu.enqueue_dma source(%dma_start3A_48 : memref<32xi32, #tpu.memory_space<hbm>>) target(%arg8 : memref<32xi32, #tpu.memory_space<vmem>>) target_semaphore(%run_scoped3A : memref<!tpu.dma_semaphore, #tpu.memory_space<semaphore_mem>>)
      %dma_wait3A_49 = tpu.memref_slice %arg4[%mul3A_2] : memref<2048xi32, #tpu.memory_space<hbm>> -> memref<32xi32, #tpu.memory_space<hbm>>
      %dma_wait3A_50 = tpu.memref_slice %arg4[%mul3A_2] : memref<2048xi32, #tpu.memory_space<hbm>> -> memref<32xi32, #tpu.memory_space<hbm>>
      tpu.wait_dma2 semaphore(%run_scoped3A : memref<!tpu.dma_semaphore, #tpu.memory_space<semaphore_mem>>) src(%dma_wait3A_50 : memref<32xi32, #tpu.memory_space<hbm>>) dst(%arg8 : memref<32xi32, #tpu.memory_space<vmem>>)
      tpu.yield
    }) : () -> ()
    %add3A_14 = arith.constant 32 : i32
    %add3A_15 = arith.addi %mul3A_2, %add3A_14 : i32
    "tpu.region"() ({
      %run_scoped3A = tpu.sem_alloc : memref<!tpu.dma_semaphore, #tpu.memory_space<semaphore_mem>>
      %dma_start3A_47 = tpu.memref_slice %arg4[%add3A_15] : memref<2048xi32, #tpu.memory_space<hbm>> -> memref<32xi32, #tpu.memory_space<hbm>>
      %dma_start3A_48 = tpu.memref_slice %arg4[%add3A_15] : memref<2048xi32, #tpu.memory_space<hbm>> -> memref<32xi32, #tpu.memory_space<hbm>>
      tpu.enqueue_dma source(%dma_start3A_48 : memref<32xi32, #tpu.memory_space<hbm>>) target(%arg9 : memref<32xi32, #tpu.memory_space<vmem>>) target_semaphore(%run_scoped3A : memref<!tpu.dma_semaphore, #tpu.memory_space<semaphore_mem>>)
      %dma_wait3A_49 = tpu.memref_slice %arg4[%add3A_15] : memref<2048xi32, #tpu.memory_space<hbm>> -> memref<32xi32, #tpu.memory_space<hbm>>
      %dma_wait3A_50 = tpu.memref_slice %arg4[%add3A_15] : memref<2048xi32, #tpu.memory_space<hbm>> -> memref<32xi32, #tpu.memory_space<hbm>>
      tpu.wait_dma2 semaphore(%run_scoped3A : memref<!tpu.dma_semaphore, #tpu.memory_space<semaphore_mem>>) src(%dma_wait3A_50 : memref<32xi32, #tpu.memory_space<hbm>>) dst(%arg9 : memref<32xi32, #tpu.memory_space<vmem>>)
      tpu.yield
    }) : () -> ()
    %dma_wait3A = arith.constant 0 : i32
    %dma_wait3A_16 = tpu.memref_slice %arg2[%mul3A_2, %dma_wait3A] : memref<2048x1024xf32, #tpu.memory_space<hbm>> -> memref<32x1024xf32, #tpu.memory_space<hbm>>
    %dma_wait3A_17 = arith.constant 0 : i32
    %dma_wait3A_18 = tpu.memref_slice %arg2[%mul3A_2, %dma_wait3A_17] : memref<2048x1024xf32, #tpu.memory_space<hbm>> -> memref<32x1024xf32, #tpu.memory_space<hbm>>
    tpu.wait_dma2 semaphore(%arg12 : memref<!tpu.dma_semaphore, #tpu.memory_space<semaphore_mem>>) src(%dma_wait3A_18 : memref<32x1024xf32, #tpu.memory_space<hbm>>) dst(%arg10 : memref<32x1024xf32, #tpu.memory_space<vmem>>)
    %dma_start3A_19 = arith.constant 0 : i32
    %dma_start3A_20 = arith.constant 0 : i32
    %dma_start3A_21 = tpu.memref_slice %arg5[%dma_start3A_19, %dma_start3A_20] : memref<8320x1024xf32, #tpu.memory_space<hbm>> -> memref<8320x1024xf32, #tpu.memory_space<hbm>>
    tpu.enqueue_indirect_dma source(%arg10 : memref<32x1024xf32, #tpu.memory_space<vmem>>) target(%dma_start3A_21 : memref<8320x1024xf32, #tpu.memory_space<hbm>>) offsets(%arg6 : memref<32xi32, #tpu.memory_space<vmem>>) semaphore(%arg14 : memref<!tpu.dma_semaphore, #tpu.memory_space<semaphore_mem>>)
    %dma_start3A_22 = arith.constant 0 : i32
    %dma_start3A_23 = arith.constant 0 : i32
    %dma_start3A_24 = tpu.memref_slice %arg5[%dma_start3A_22, %dma_start3A_23] : memref<8320x1024xf32, #tpu.memory_space<hbm>> -> memref<8320x1024xf32, #tpu.memory_space<hbm>>
    tpu.enqueue_indirect_dma source(%arg10 : memref<32x1024xf32, #tpu.memory_space<vmem>>) target(%dma_start3A_24 : memref<8320x1024xf32, #tpu.memory_space<hbm>>) offsets(%arg8 : memref<32xi32, #tpu.memory_space<vmem>>) semaphore(%arg14 : memref<!tpu.dma_semaphore, #tpu.memory_space<semaphore_mem>>)
    %dma_wait3A_25 = arith.constant 0 : i32
    %dma_wait3A_26 = tpu.memref_slice %arg2[%add3A_7, %dma_wait3A_25] : memref<2048x1024xf32, #tpu.memory_space<hbm>> -> memref<32x1024xf32, #tpu.memory_space<hbm>>
    %dma_wait3A_27 = arith.constant 0 : i32
    %dma_wait3A_28 = tpu.memref_slice %arg2[%add3A_7, %dma_wait3A_27] : memref<2048x1024xf32, #tpu.memory_space<hbm>> -> memref<32x1024xf32, #tpu.memory_space<hbm>>
    tpu.wait_dma2 semaphore(%arg13 : memref<!tpu.dma_semaphore, #tpu.memory_space<semaphore_mem>>) src(%dma_wait3A_28 : memref<32x1024xf32, #tpu.memory_space<hbm>>) dst(%arg11 : memref<32x1024xf32, #tpu.memory_space<vmem>>)
    %dma_start3A_29 = arith.constant 0 : i32
    %dma_start3A_30 = arith.constant 0 : i32
    %dma_start3A_31 = tpu.memref_slice %arg5[%dma_start3A_29, %dma_start3A_30] : memref<8320x1024xf32, #tpu.memory_space<hbm>> -> memref<8320x1024xf32, #tpu.memory_space<hbm>>
    tpu.enqueue_indirect_dma source(%arg11 : memref<32x1024xf32, #tpu.memory_space<vmem>>) target(%dma_start3A_31 : memref<8320x1024xf32, #tpu.memory_space<hbm>>) offsets(%arg7 : memref<32xi32, #tpu.memory_space<vmem>>) semaphore(%arg14 : memref<!tpu.dma_semaphore, #tpu.memory_space<semaphore_mem>>)
    %dma_start3A_32 = arith.constant 0 : i32
    %dma_start3A_33 = arith.constant 0 : i32
    %dma_start3A_34 = tpu.memref_slice %arg5[%dma_start3A_32, %dma_start3A_33] : memref<8320x1024xf32, #tpu.memory_space<hbm>> -> memref<8320x1024xf32, #tpu.memory_space<hbm>>
    tpu.enqueue_indirect_dma source(%arg11 : memref<32x1024xf32, #tpu.memory_space<vmem>>) target(%dma_start3A_34 : memref<8320x1024xf32, #tpu.memory_space<hbm>>) offsets(%arg9 : memref<32xi32, #tpu.memory_space<vmem>>) semaphore(%arg14 : memref<!tpu.dma_semaphore, #tpu.memory_space<semaphore_mem>>)
    %dma_wait3A_35 = arith.constant 0 : i32
    %dma_wait3A_36 = arith.constant 0 : i32
    %dma_wait3A_37 = tpu.memref_slice %arg5[%dma_wait3A_35, %dma_wait3A_36] : memref<8320x1024xf32, #tpu.memory_space<hbm>> -> memref<8320x1024xf32, #tpu.memory_space<hbm>>
    tpu.wait_indirect_dma semaphore(%arg14 : memref<!tpu.dma_semaphore, #tpu.memory_space<semaphore_mem>>) src(%arg10 : memref<32x1024xf32, #tpu.memory_space<vmem>>) dst(%dma_wait3A_37 : memref<8320x1024xf32, #tpu.memory_space<hbm>>)
    %dma_wait3A_38 = arith.constant 0 : i32
    %dma_wait3A_39 = arith.constant 0 : i32
    %dma_wait3A_40 = tpu.memref_slice %arg5[%dma_wait3A_38, %dma_wait3A_39] : memref<8320x1024xf32, #tpu.memory_space<hbm>> -> memref<8320x1024xf32, #tpu.memory_space<hbm>>
    tpu.wait_indirect_dma semaphore(%arg14 : memref<!tpu.dma_semaphore, #tpu.memory_space<semaphore_mem>>) src(%arg10 : memref<32x1024xf32, #tpu.memory_space<vmem>>) dst(%dma_wait3A_40 : memref<8320x1024xf32, #tpu.memory_space<hbm>>)
    %dma_wait3A_41 = arith.constant 0 : i32
    %dma_wait3A_42 = arith.constant 0 : i32
    %dma_wait3A_43 = tpu.memref_slice %arg5[%dma_wait3A_41, %dma_wait3A_42] : memref<8320x1024xf32, #tpu.memory_space<hbm>> -> memref<8320x1024xf32, #tpu.memory_space<hbm>>
    tpu.wait_indirect_dma semaphore(%arg14 : memref<!tpu.dma_semaphore, #tpu.memory_space<semaphore_mem>>) src(%arg11 : memref<32x1024xf32, #tpu.memory_space<vmem>>) dst(%dma_wait3A_43 : memref<8320x1024xf32, #tpu.memory_space<hbm>>)
    %dma_wait3A_44 = arith.constant 0 : i32
    %dma_wait3A_45 = arith.constant 0 : i32
    %dma_wait3A_46 = tpu.memref_slice %arg5[%dma_wait3A_44, %dma_wait3A_45] : memref<8320x1024xf32, #tpu.memory_space<hbm>> -> memref<8320x1024xf32, #tpu.memory_space<hbm>>
    tpu.wait_indirect_dma semaphore(%arg14 : memref<!tpu.dma_semaphore, #tpu.memory_space<semaphore_mem>>) src(%arg11 : memref<32x1024xf32, #tpu.memory_space<vmem>>) dst(%dma_wait3A_46 : memref<8320x1024xf32, #tpu.memory_space<hbm>>)
    return
  }
}

module attributes {stable_mosaic.version = 14 : i64} {
  func.func @_shared_body(%arg0: i32, %arg1: memref<512x1024xf32, #tpu.memory_space<vmem>>, %arg2: memref<1024x1024xf32, #tpu.memory_space<vmem>>, %arg3: memref<1024x1024xf32, #tpu.memory_space<vmem>>, %arg4: memref<1024x1024xf32, #tpu.memory_space<vmem>>, %arg5: memref<512x1024xf32, #tpu.memory_space<vmem>>) attributes {dimension_semantics = [#tpu.dimension_semantics<arbitrary>], iteration_bounds = array<i64: 4>, scalar_prefetch = 0 : i64, scratch_operands = 0 : i64, tpu.core_type = #tpu.core_type<tc>, window_params = [{transform_indices = @transform_0, window_bounds = array<i64: 512, 1024>}, {pipeline_mode = #tpu.pipeline_mode<synchronous>, transform_indices = @transform_1, window_bounds = array<i64: 1024, 1024>}, {pipeline_mode = #tpu.pipeline_mode<synchronous>, transform_indices = @transform_2, window_bounds = array<i64: 1024, 1024>}, {pipeline_mode = #tpu.pipeline_mode<synchronous>, transform_indices = @transform_3, window_bounds = array<i64: 1024, 1024>}, {transform_indices = @transform_4, window_bounds = array<i64: 512, 1024>}]} {
    %get3A = arith.constant 0 : index
    %get3A_0 = arith.constant 0 : index
    %get3A_1 = vector.load %arg1[%get3A, %get3A_0] : memref<512x1024xf32, #tpu.memory_space<vmem>>, vector<512x1024xf32>
    %convert_element_type3A = arith.truncf %get3A_1 : vector<512x1024xf32> to vector<512x1024xbf16>
    %get3A_2 = arith.constant 0 : index
    %get3A_3 = arith.constant 0 : index
    %get3A_4 = vector.load %arg2[%get3A_2, %get3A_3] : memref<1024x1024xf32, #tpu.memory_space<vmem>>, vector<1024x1024xf32>
    %convert_element_type3A_5 = arith.truncf %get3A_4 : vector<1024x1024xf32> to vector<1024x1024xbf16>
    %dot_general3A = arith.constant dense<0.000000e+00> : vector<512x1024xf32>
    %dot_general3A_6 = tpu.matmul %convert_element_type3A, %convert_element_type3A_5, %dot_general3A {dimension_numbers = #tpu.dot_dimension_numbers<[1], [1], [0], [0], [0, 0, 1, 0], [], []>, transpose_lhs_hint = false} : vector<512x1024xbf16>, vector<1024x1024xbf16>, vector<512x1024xf32> -> vector<512x1024xf32>
    %get3A_7 = arith.constant 0 : index
    %get3A_8 = arith.constant 0 : index
    %get3A_9 = vector.load %arg3[%get3A_7, %get3A_8] : memref<1024x1024xf32, #tpu.memory_space<vmem>>, vector<1024x1024xf32>
    %convert_element_type3A_10 = arith.truncf %get3A_9 : vector<1024x1024xf32> to vector<1024x1024xbf16>
    %dot_general3A_11 = arith.constant dense<0.000000e+00> : vector<512x1024xf32>
    %dot_general3A_12 = tpu.matmul %convert_element_type3A, %convert_element_type3A_10, %dot_general3A_11 {dimension_numbers = #tpu.dot_dimension_numbers<[1], [1], [0], [0], [0, 0, 1, 0], [], []>, transpose_lhs_hint = false} : vector<512x1024xbf16>, vector<1024x1024xbf16>, vector<512x1024xf32> -> vector<512x1024xf32>
    %logistic3A = arith.negf %dot_general3A_6 : vector<512x1024xf32>
    %logistic3A_13 = math.exp %logistic3A : vector<512x1024xf32>
    %logistic3A_14 = arith.constant 1.000000e+00 : f32
    %logistic3A_15 = vector.broadcast %logistic3A_14 : f32 to vector<512x1024xf32>
    %logistic3A_16 = arith.addf %logistic3A_15, %logistic3A_13 : vector<512x1024xf32>
    %logistic3A_17 = arith.divf %logistic3A_15, %logistic3A_16 : vector<512x1024xf32>
    %mul3A = arith.mulf %dot_general3A_6, %logistic3A_17 : vector<512x1024xf32>
    %mul3A_18 = arith.mulf %mul3A, %dot_general3A_12 : vector<512x1024xf32>
    %convert_element_type3A_19 = arith.truncf %mul3A_18 : vector<512x1024xf32> to vector<512x1024xbf16>
    %get3A_20 = arith.constant 0 : index
    %get3A_21 = arith.constant 0 : index
    %get3A_22 = vector.load %arg4[%get3A_20, %get3A_21] : memref<1024x1024xf32, #tpu.memory_space<vmem>>, vector<1024x1024xf32>
    %convert_element_type3A_23 = arith.truncf %get3A_22 : vector<1024x1024xf32> to vector<1024x1024xbf16>
    %dot_general3A_24 = arith.constant dense<0.000000e+00> : vector<512x1024xf32>
    %dot_general3A_25 = tpu.matmul %convert_element_type3A_19, %convert_element_type3A_23, %dot_general3A_24 {dimension_numbers = #tpu.dot_dimension_numbers<[1], [1], [0], [0], [0, 0, 1, 0], [], []>, transpose_lhs_hint = false} : vector<512x1024xbf16>, vector<1024x1024xbf16>, vector<512x1024xf32> -> vector<512x1024xf32>
    %swap3A = arith.constant 0 : index
    %swap3A_26 = arith.constant 0 : index
    %swap3A_27 = vector.load %arg5[%swap3A, %swap3A_26] : memref<512x1024xf32, #tpu.memory_space<vmem>>, vector<512x1024xf32>
    tpu.vector_store %arg5[%swap3A, %swap3A_26], %dot_general3A_25 {strides = array<i32>} : memref<512x1024xf32, #tpu.memory_space<vmem>>, vector<512x1024xf32>,
    return
  }
  func.func @transform_0(%arg0: i32) -> (i32, i32) {
    %c0_i32 = arith.constant 0 : i32
    %c0_i32_0 = arith.constant 0 : i32
    return %arg0, %c0_i32 : i32, i32
  }
  func.func @transform_1(%arg0: i32) -> (i32, i32) {
    %c0_i32 = arith.constant 0 : i32
    %c0_i32_0 = arith.constant 0 : i32
    %c0_i32_1 = arith.constant 0 : i32
    return %c0_i32, %c0_i32_0 : i32, i32
  }
  func.func @transform_2(%arg0: i32) -> (i32, i32) {
    %c0_i32 = arith.constant 0 : i32
    %c0_i32_0 = arith.constant 0 : i32
    %c0_i32_1 = arith.constant 0 : i32
    return %c0_i32, %c0_i32_0 : i32, i32
  }
  func.func @transform_3(%arg0: i32) -> (i32, i32) {
    %c0_i32 = arith.constant 0 : i32
    %c0_i32_0 = arith.constant 0 : i32
    %c0_i32_1 = arith.constant 0 : i32
    return %c0_i32, %c0_i32_0 : i32, i32
  }
  func.func @transform_4(%arg0: i32) -> (i32, i32) {
    %c0_i32 = arith.constant 0 : i32
    %c0_i32_0 = arith.constant 0 : i32
    return %arg0, %c0_i32 : i32, i32
  }
}

module attributes {stable_mosaic.version = 14 : i64} {
  func.func @_gate_body(%arg0: memref<2048x1024xf32, #tpu.memory_space<vmem>>, %arg1: memref<16x1024xf32, #tpu.memory_space<vmem>>, %arg2: memref<2048x2xi32, #tpu.memory_space<vmem>>, %arg3: memref<2048x2xi32, #tpu.memory_space<vmem>>, %arg4: memref<2048x2xf32, #tpu.memory_space<vmem>>, %arg5: memref<1x16xi32, #tpu.memory_space<vmem>>) attributes {dimension_semantics = [], scalar_prefetch = 0 : i64, scratch_operands = 0 : i64, tpu.core_type = #tpu.core_type<tc>} {
    %get3A = arith.constant 0 : index
    %get3A_0 = arith.constant 0 : index
    %get3A_1 = vector.load %arg0[%get3A, %get3A_0] : memref<2048x1024xf32, #tpu.memory_space<vmem>>, vector<2048x1024xf32>
    %get3A_2 = arith.constant 0 : index
    %get3A_3 = arith.constant 0 : index
    %get3A_4 = vector.load %arg1[%get3A_2, %get3A_3] : memref<16x1024xf32, #tpu.memory_space<vmem>>, vector<16x1024xf32>
    %dot_general3A = arith.constant dense<0.000000e+00> : vector<2048x16xf32>
    %dot_general3A_5 = tpu.matmul %get3A_1, %get3A_4, %dot_general3A {dimension_numbers = #tpu.dot_dimension_numbers<[1], [1], [0], [0], [0, 0, 1, 0], [], []>, transpose_lhs_hint = false} : vector<2048x1024xf32>, vector<16x1024xf32>, vector<2048x16xf32> -> vector<2048x16xf32>
    %logistic3A = arith.negf %dot_general3A_5 : vector<2048x16xf32>
    %logistic3A_6 = math.exp %logistic3A : vector<2048x16xf32>
    %logistic3A_7 = arith.constant 1.000000e+00 : f32
    %logistic3A_8 = vector.broadcast %logistic3A_7 : f32 to vector<2048x16xf32>
    %logistic3A_9 = arith.addf %logistic3A_8, %logistic3A_6 : vector<2048x16xf32>
    %logistic3A_10 = arith.divf %logistic3A_8, %logistic3A_9 : vector<2048x16xf32>
    %iota3A = tpu.iota {dimensions = array<i32: 1>} : vector<2048x16xi32>
    %jit3A = arith.constant 4 : i32
    %div3A = vector.broadcast %jit3A : i32 to vector<2048x16xi32>
    %div3A_11 = arith.divsi %iota3A, %div3A : vector<2048x16xi32>
    %sign3A = arith.constant 0 : i32
    %sign3A_12 = vector.broadcast %sign3A : i32 to vector<2048x16xi32>
    %sign3A_13 = arith.cmpi sgt, %iota3A, %sign3A_12 : vector<2048x16xi32>
    %sign3A_14 = arith.extui %sign3A_13 : vector<2048x16xi1> to vector<2048x16xi32>
    %sign3A_15 = arith.constant 0 : i32
    %sign3A_16 = vector.broadcast %sign3A_15 : i32 to vector<2048x16xi32>
    %sign3A_17 = arith.cmpi slt, %iota3A, %sign3A_16 : vector<2048x16xi32>
    %sign3A_18 = arith.extui %sign3A_17 : vector<2048x16xi1> to vector<2048x16xi32>
    %sign3A_19 = arith.subi %sign3A_14, %sign3A_18 : vector<2048x16xi32>
    %sign3A_20 = arith.constant 0 : i32
    %sign3A_21 = arith.cmpi sgt, %jit3A, %sign3A_20 : i32
    %sign3A_22 = arith.extui %sign3A_21 : i1 to i32
    %sign3A_23 = arith.constant 0 : i32
    %sign3A_24 = arith.cmpi slt, %jit3A, %sign3A_23 : i32
    %sign3A_25 = arith.extui %sign3A_24 : i1 to i32
    %sign3A_26 = arith.subi %sign3A_22, %sign3A_25 : i32
    %ne3A = vector.broadcast %sign3A_26 : i32 to vector<2048x16xi32>
    %ne3A_27 = arith.cmpi ne, %sign3A_19, %ne3A : vector<2048x16xi32>
    %rem3A = vector.broadcast %jit3A : i32 to vector<2048x16xi32>
    %rem3A_28 = arith.remsi %iota3A, %rem3A : vector<2048x16xi32>
    %ne3A_29 = arith.constant 0 : i32
    %ne3A_30 = vector.broadcast %ne3A_29 : i32 to vector<2048x16xi32>
    %ne3A_31 = arith.cmpi ne, %rem3A_28, %ne3A_30 : vector<2048x16xi32>
    %and3A = arith.andi %ne3A_27, %ne3A_31 : vector<2048x16xi1>
    %sub3A = arith.constant 1 : i32
    %sub3A_32 = vector.broadcast %sub3A : i32 to vector<2048x16xi32>
    %sub3A_33 = arith.subi %div3A_11, %sub3A_32 : vector<2048x16xi32>
    %select_n3A = arith.select %and3A, %sub3A_33, %div3A_11 : vector<2048x16xi1>, vector<2048x16xi32>
    %eq3A = arith.constant 0 : i32
    %eq3A_34 = vector.broadcast %eq3A : i32 to vector<2048x16xi32>
    %eq3A_35 = arith.cmpi eq, %select_n3A, %eq3A_34 : vector<2048x16xi32>
    %jit3A_36 = arith.constant 0xFF800000 : f32
    %broadcast_in_dim3A = vector.broadcast %jit3A_36 : f32 to vector<2048x16xf32>
    %select_n3A_37 = arith.select %eq3A_35, %logistic3A_10, %broadcast_in_dim3A : vector<2048x16xi1>, vector<2048x16xf32>
    %reduce_max3A = arith.constant dense<0xFF800000> : vector<2048xf32>
    %reduce_max3A_38 = vector.multi_reduction <maximumf>, %select_n3A_37, %reduce_max3A [1] : vector<2048x16xf32> to vector<2048xf32>
    %broadcast_in_dim3A_39 = vector.shape_cast %reduce_max3A_38 : vector<2048xf32> to vector<2048x1xf32>
    %eq3A_40 = arith.constant 1 : i32
    %eq3A_41 = vector.broadcast %eq3A_40 : i32 to vector<2048x16xi32>
    %eq3A_42 = arith.cmpi eq, %select_n3A, %eq3A_41 : vector<2048x16xi32>
    %jit3A_43 = arith.constant 0xFF800000 : f32
    %broadcast_in_dim3A_44 = vector.broadcast %jit3A_43 : f32 to vector<2048x16xf32>
    %select_n3A_45 = arith.select %eq3A_42, %logistic3A_10, %broadcast_in_dim3A_44 : vector<2048x16xi1>, vector<2048x16xf32>
    %reduce_max3A_46 = arith.constant dense<0xFF800000> : vector<2048xf32>
    %reduce_max3A_47 = vector.multi_reduction <maximumf>, %select_n3A_45, %reduce_max3A_46 [1] : vector<2048x16xf32> to vector<2048xf32>
    %broadcast_in_dim3A_48 = vector.shape_cast %reduce_max3A_47 : vector<2048xf32> to vector<2048x1xf32>
    %eq3A_49 = arith.constant 2 : i32
    %eq3A_50 = vector.broadcast %eq3A_49 : i32 to vector<2048x16xi32>
    %eq3A_51 = arith.cmpi eq, %select_n3A, %eq3A_50 : vector<2048x16xi32>
    %jit3A_52 = arith.constant 0xFF800000 : f32
    %broadcast_in_dim3A_53 = vector.broadcast %jit3A_52 : f32 to vector<2048x16xf32>
    %select_n3A_54 = arith.select %eq3A_51, %logistic3A_10, %broadcast_in_dim3A_53 : vector<2048x16xi1>, vector<2048x16xf32>
    %reduce_max3A_55 = arith.constant dense<0xFF800000> : vector<2048xf32>
    %reduce_max3A_56 = vector.multi_reduction <maximumf>, %select_n3A_54, %reduce_max3A_55 [1] : vector<2048x16xf32> to vector<2048xf32>
    %broadcast_in_dim3A_57 = vector.shape_cast %reduce_max3A_56 : vector<2048xf32> to vector<2048x1xf32>
    %eq3A_58 = arith.constant 3 : i32
    %eq3A_59 = vector.broadcast %eq3A_58 : i32 to vector<2048x16xi32>
    %eq3A_60 = arith.cmpi eq, %select_n3A, %eq3A_59 : vector<2048x16xi32>
    %jit3A_61 = arith.constant 0xFF800000 : f32
    %broadcast_in_dim3A_62 = vector.broadcast %jit3A_61 : f32 to vector<2048x16xf32>
    %select_n3A_63 = arith.select %eq3A_60, %logistic3A_10, %broadcast_in_dim3A_62 : vector<2048x16xi1>, vector<2048x16xf32>
    %reduce_max3A_64 = arith.constant dense<0xFF800000> : vector<2048xf32>
    %reduce_max3A_65 = vector.multi_reduction <maximumf>, %select_n3A_63, %reduce_max3A_64 [1] : vector<2048x16xf32> to vector<2048xf32>
    %broadcast_in_dim3A_66 = vector.shape_cast %reduce_max3A_65 : vector<2048xf32> to vector<2048x1xf32>
    %broadcast_in_dim3A_67 = arith.constant 0.000000e+00 : f32
    %broadcast_in_dim3A_68 = vector.broadcast %broadcast_in_dim3A_67 : f32 to vector<2048x1xf32>
    %gt3A = arith.cmpf ogt, %broadcast_in_dim3A_48, %broadcast_in_dim3A_39 : vector<2048x1xf32>
    %eq3A_69 = arith.cmpf oeq, %broadcast_in_dim3A_48, %broadcast_in_dim3A_39 : vector<2048x1xf32>
    %and3A_70 = arith.constant false
    %and3A_71 = vector.broadcast %and3A_70 : i1 to vector<2048x1xi1>
    %and3A_72 = arith.andi %eq3A_69, %and3A_71 : vector<2048x1xi1>
    %or3A = arith.ori %gt3A, %and3A_72 : vector<2048x1xi1>
    %convert_element_type3A = arith.extui %or3A : vector<2048x1xi1> to vector<2048x1xi32>
    %convert_element_type3A_73 = arith.sitofp %convert_element_type3A : vector<2048x1xi32> to vector<2048x1xf32>
    %add3A = arith.addf %broadcast_in_dim3A_68, %convert_element_type3A_73 : vector<2048x1xf32>
    %gt3A_74 = arith.cmpf ogt, %broadcast_in_dim3A_57, %broadcast_in_dim3A_39 : vector<2048x1xf32>
    %eq3A_75 = arith.cmpf oeq, %broadcast_in_dim3A_57, %broadcast_in_dim3A_39 : vector<2048x1xf32>
    %and3A_76 = arith.constant false
    %and3A_77 = vector.broadcast %and3A_76 : i1 to vector<2048x1xi1>
    %and3A_78 = arith.andi %eq3A_75, %and3A_77 : vector<2048x1xi1>
    %or3A_79 = arith.ori %gt3A_74, %and3A_78 : vector<2048x1xi1>
    %convert_element_type3A_80 = arith.extui %or3A_79 : vector<2048x1xi1> to vector<2048x1xi32>
    %convert_element_type3A_81 = arith.sitofp %convert_element_type3A_80 : vector<2048x1xi32> to vector<2048x1xf32>
    %add3A_82 = arith.addf %add3A, %convert_element_type3A_81 : vector<2048x1xf32>
    %gt3A_83 = arith.cmpf ogt, %broadcast_in_dim3A_66, %broadcast_in_dim3A_39 : vector<2048x1xf32>
    %eq3A_84 = arith.cmpf oeq, %broadcast_in_dim3A_66, %broadcast_in_dim3A_39 : vector<2048x1xf32>
    %and3A_85 = arith.constant false
    %and3A_86 = vector.broadcast %and3A_85 : i1 to vector<2048x1xi1>
    %and3A_87 = arith.andi %eq3A_84, %and3A_86 : vector<2048x1xi1>
    %or3A_88 = arith.ori %gt3A_83, %and3A_87 : vector<2048x1xi1>
    %convert_element_type3A_89 = arith.extui %or3A_88 : vector<2048x1xi1> to vector<2048x1xi32>
    %convert_element_type3A_90 = arith.sitofp %convert_element_type3A_89 : vector<2048x1xi32> to vector<2048x1xf32>
    %add3A_91 = arith.addf %add3A_82, %convert_element_type3A_90 : vector<2048x1xf32>
    %lt3A = arith.constant 2.000000e+00 : f32
    %lt3A_92 = vector.broadcast %lt3A : f32 to vector<2048x1xf32>
    %lt3A_93 = arith.cmpf olt, %add3A_91, %lt3A_92 : vector<2048x1xf32>
    %broadcast_in_dim3A_94 = arith.constant 0.000000e+00 : f32
    %broadcast_in_dim3A_95 = vector.broadcast %broadcast_in_dim3A_94 : f32 to vector<2048x1xf32>
    %gt3A_96 = arith.cmpf ogt, %broadcast_in_dim3A_39, %broadcast_in_dim3A_48 : vector<2048x1xf32>
    %eq3A_97 = arith.cmpf oeq, %broadcast_in_dim3A_39, %broadcast_in_dim3A_48 : vector<2048x1xf32>
    %and3A_98 = arith.constant true
    %and3A_99 = vector.broadcast %and3A_98 : i1 to vector<2048x1xi1>
    %and3A_100 = arith.andi %eq3A_97, %and3A_99 : vector<2048x1xi1>
    %or3A_101 = arith.ori %gt3A_96, %and3A_100 : vector<2048x1xi1>
    %convert_element_type3A_102 = arith.extui %or3A_101 : vector<2048x1xi1> to vector<2048x1xi32>
    %convert_element_type3A_103 = arith.sitofp %convert_element_type3A_102 : vector<2048x1xi32> to vector<2048x1xf32>
    %add3A_104 = arith.addf %broadcast_in_dim3A_95, %convert_element_type3A_103 : vector<2048x1xf32>
    %gt3A_105 = arith.cmpf ogt, %broadcast_in_dim3A_57, %broadcast_in_dim3A_48 : vector<2048x1xf32>
    %eq3A_106 = arith.cmpf oeq, %broadcast_in_dim3A_57, %broadcast_in_dim3A_48 : vector<2048x1xf32>
    %and3A_107 = arith.constant false
    %and3A_108 = vector.broadcast %and3A_107 : i1 to vector<2048x1xi1>
    %and3A_109 = arith.andi %eq3A_106, %and3A_108 : vector<2048x1xi1>
    %or3A_110 = arith.ori %gt3A_105, %and3A_109 : vector<2048x1xi1>
    %convert_element_type3A_111 = arith.extui %or3A_110 : vector<2048x1xi1> to vector<2048x1xi32>
    %convert_element_type3A_112 = arith.sitofp %convert_element_type3A_111 : vector<2048x1xi32> to vector<2048x1xf32>
    %add3A_113 = arith.addf %add3A_104, %convert_element_type3A_112 : vector<2048x1xf32>
    %gt3A_114 = arith.cmpf ogt, %broadcast_in_dim3A_66, %broadcast_in_dim3A_48 : vector<2048x1xf32>
    %eq3A_115 = arith.cmpf oeq, %broadcast_in_dim3A_66, %broadcast_in_dim3A_48 : vector<2048x1xf32>
    %and3A_116 = arith.constant false
    %and3A_117 = vector.broadcast %and3A_116 : i1 to vector<2048x1xi1>
    %and3A_118 = arith.andi %eq3A_115, %and3A_117 : vector<2048x1xi1>
    %or3A_119 = arith.ori %gt3A_114, %and3A_118 : vector<2048x1xi1>
    %convert_element_type3A_120 = arith.extui %or3A_119 : vector<2048x1xi1> to vector<2048x1xi32>
    %convert_element_type3A_121 = arith.sitofp %convert_element_type3A_120 : vector<2048x1xi32> to vector<2048x1xf32>
    %add3A_122 = arith.addf %add3A_113, %convert_element_type3A_121 : vector<2048x1xf32>
    %lt3A_123 = arith.constant 2.000000e+00 : f32
    %lt3A_124 = vector.broadcast %lt3A_123 : f32 to vector<2048x1xf32>
    %lt3A_125 = arith.cmpf olt, %add3A_122, %lt3A_124 : vector<2048x1xf32>
    %broadcast_in_dim3A_126 = arith.constant 0.000000e+00 : f32
    %broadcast_in_dim3A_127 = vector.broadcast %broadcast_in_dim3A_126 : f32 to vector<2048x1xf32>
    %gt3A_128 = arith.cmpf ogt, %broadcast_in_dim3A_39, %broadcast_in_dim3A_57 : vector<2048x1xf32>
    %eq3A_129 = arith.cmpf oeq, %broadcast_in_dim3A_39, %broadcast_in_dim3A_57 : vector<2048x1xf32>
    %and3A_130 = arith.constant true
    %and3A_131 = vector.broadcast %and3A_130 : i1 to vector<2048x1xi1>
    %and3A_132 = arith.andi %eq3A_129, %and3A_131 : vector<2048x1xi1>
    %or3A_133 = arith.ori %gt3A_128, %and3A_132 : vector<2048x1xi1>
    %convert_element_type3A_134 = arith.extui %or3A_133 : vector<2048x1xi1> to vector<2048x1xi32>
    %convert_element_type3A_135 = arith.sitofp %convert_element_type3A_134 : vector<2048x1xi32> to vector<2048x1xf32>
    %add3A_136 = arith.addf %broadcast_in_dim3A_127, %convert_element_type3A_135 : vector<2048x1xf32>
    %gt3A_137 = arith.cmpf ogt, %broadcast_in_dim3A_48, %broadcast_in_dim3A_57 : vector<2048x1xf32>
    %eq3A_138 = arith.cmpf oeq, %broadcast_in_dim3A_48, %broadcast_in_dim3A_57 : vector<2048x1xf32>
    %and3A_139 = arith.constant true
    %and3A_140 = vector.broadcast %and3A_139 : i1 to vector<2048x1xi1>
    %and3A_141 = arith.andi %eq3A_138, %and3A_140 : vector<2048x1xi1>
    %or3A_142 = arith.ori %gt3A_137, %and3A_141 : vector<2048x1xi1>
    %convert_element_type3A_143 = arith.extui %or3A_142 : vector<2048x1xi1> to vector<2048x1xi32>
    %convert_element_type3A_144 = arith.sitofp %convert_element_type3A_143 : vector<2048x1xi32> to vector<2048x1xf32>
    %add3A_145 = arith.addf %add3A_136, %convert_element_type3A_144 : vector<2048x1xf32>
    %gt3A_146 = arith.cmpf ogt, %broadcast_in_dim3A_66, %broadcast_in_dim3A_57 : vector<2048x1xf32>
    %eq3A_147 = arith.cmpf oeq, %broadcast_in_dim3A_66, %broadcast_in_dim3A_57 : vector<2048x1xf32>
    %and3A_148 = arith.constant false
    %and3A_149 = vector.broadcast %and3A_148 : i1 to vector<2048x1xi1>
    %and3A_150 = arith.andi %eq3A_147, %and3A_149 : vector<2048x1xi1>
    %or3A_151 = arith.ori %gt3A_146, %and3A_150 : vector<2048x1xi1>
    %convert_element_type3A_152 = arith.extui %or3A_151 : vector<2048x1xi1> to vector<2048x1xi32>
    %convert_element_type3A_153 = arith.sitofp %convert_element_type3A_152 : vector<2048x1xi32> to vector<2048x1xf32>
    %add3A_154 = arith.addf %add3A_145, %convert_element_type3A_153 : vector<2048x1xf32>
    %lt3A_155 = arith.constant 2.000000e+00 : f32
    %lt3A_156 = vector.broadcast %lt3A_155 : f32 to vector<2048x1xf32>
    %lt3A_157 = arith.cmpf olt, %add3A_154, %lt3A_156 : vector<2048x1xf32>
    %broadcast_in_dim3A_158 = arith.constant 0.000000e+00 : f32
    %broadcast_in_dim3A_159 = vector.broadcast %broadcast_in_dim3A_158 : f32 to vector<2048x1xf32>
    %gt3A_160 = arith.cmpf ogt, %broadcast_in_dim3A_39, %broadcast_in_dim3A_66 : vector<2048x1xf32>
    %eq3A_161 = arith.cmpf oeq, %broadcast_in_dim3A_39, %broadcast_in_dim3A_66 : vector<2048x1xf32>
    %and3A_162 = arith.constant true
    %and3A_163 = vector.broadcast %and3A_162 : i1 to vector<2048x1xi1>
    %and3A_164 = arith.andi %eq3A_161, %and3A_163 : vector<2048x1xi1>
    %or3A_165 = arith.ori %gt3A_160, %and3A_164 : vector<2048x1xi1>
    %convert_element_type3A_166 = arith.extui %or3A_165 : vector<2048x1xi1> to vector<2048x1xi32>
    %convert_element_type3A_167 = arith.sitofp %convert_element_type3A_166 : vector<2048x1xi32> to vector<2048x1xf32>
    %add3A_168 = arith.addf %broadcast_in_dim3A_159, %convert_element_type3A_167 : vector<2048x1xf32>
    %gt3A_169 = arith.cmpf ogt, %broadcast_in_dim3A_48, %broadcast_in_dim3A_66 : vector<2048x1xf32>
    %eq3A_170 = arith.cmpf oeq, %broadcast_in_dim3A_48, %broadcast_in_dim3A_66 : vector<2048x1xf32>
    %and3A_171 = arith.constant true
    %and3A_172 = vector.broadcast %and3A_171 : i1 to vector<2048x1xi1>
    %and3A_173 = arith.andi %eq3A_170, %and3A_172 : vector<2048x1xi1>
    %or3A_174 = arith.ori %gt3A_169, %and3A_173 : vector<2048x1xi1>
    %convert_element_type3A_175 = arith.extui %or3A_174 : vector<2048x1xi1> to vector<2048x1xi32>
    %convert_element_type3A_176 = arith.sitofp %convert_element_type3A_175 : vector<2048x1xi32> to vector<2048x1xf32>
    %add3A_177 = arith.addf %add3A_168, %convert_element_type3A_176 : vector<2048x1xf32>
    %gt3A_178 = arith.cmpf ogt, %broadcast_in_dim3A_57, %broadcast_in_dim3A_66 : vector<2048x1xf32>
    %eq3A_179 = arith.cmpf oeq, %broadcast_in_dim3A_57, %broadcast_in_dim3A_66 : vector<2048x1xf32>
    %and3A_180 = arith.constant true
    %and3A_181 = vector.broadcast %and3A_180 : i1 to vector<2048x1xi1>
    %and3A_182 = arith.andi %eq3A_179, %and3A_181 : vector<2048x1xi1>
    %or3A_183 = arith.ori %gt3A_178, %and3A_182 : vector<2048x1xi1>
    %convert_element_type3A_184 = arith.extui %or3A_183 : vector<2048x1xi1> to vector<2048x1xi32>
    %convert_element_type3A_185 = arith.sitofp %convert_element_type3A_184 : vector<2048x1xi32> to vector<2048x1xf32>
    %add3A_186 = arith.addf %add3A_177, %convert_element_type3A_185 : vector<2048x1xf32>
    %lt3A_187 = arith.constant 2.000000e+00 : f32
    %lt3A_188 = vector.broadcast %lt3A_187 : f32 to vector<2048x1xf32>
    %lt3A_189 = arith.cmpf olt, %add3A_186, %lt3A_188 : vector<2048x1xf32>
    %broadcast_in_dim3A_190 = arith.constant false
    %broadcast_in_dim3A_191 = vector.broadcast %broadcast_in_dim3A_190 : i1 to vector<2048x16xi1>
    %eq3A_192 = arith.constant 0 : i32
    %eq3A_193 = vector.broadcast %eq3A_192 : i32 to vector<2048x16xi32>
    %eq3A_194 = arith.cmpi eq, %select_n3A, %eq3A_193 : vector<2048x16xi32>
    %and3A_195 = vector.broadcast %lt3A_93 : vector<2048x1xi1> to vector<2048x16xi1>
    %and3A_196 = arith.andi %and3A_195, %eq3A_194 : vector<2048x16xi1>
    %or3A_197 = arith.ori %broadcast_in_dim3A_191, %and3A_196 : vector<2048x16xi1>
    %eq3A_198 = arith.constant 1 : i32
    %eq3A_199 = vector.broadcast %eq3A_198 : i32 to vector<2048x16xi32>
    %eq3A_200 = arith.cmpi eq, %select_n3A, %eq3A_199 : vector<2048x16xi32>
    %and3A_201 = vector.broadcast %lt3A_125 : vector<2048x1xi1> to vector<2048x16xi1>
    %and3A_202 = arith.andi %and3A_201, %eq3A_200 : vector<2048x16xi1>
    %or3A_203 = arith.ori %or3A_197, %and3A_202 : vector<2048x16xi1>
    %eq3A_204 = arith.constant 2 : i32
    %eq3A_205 = vector.broadcast %eq3A_204 : i32 to vector<2048x16xi32>
    %eq3A_206 = arith.cmpi eq, %select_n3A, %eq3A_205 : vector<2048x16xi32>
    %and3A_207 = vector.broadcast %lt3A_157 : vector<2048x1xi1> to vector<2048x16xi1>
    %and3A_208 = arith.andi %and3A_207, %eq3A_206 : vector<2048x16xi1>
    %or3A_209 = arith.ori %or3A_203, %and3A_208 : vector<2048x16xi1>
    %eq3A_210 = arith.constant 3 : i32
    %eq3A_211 = vector.broadcast %eq3A_210 : i32 to vector<2048x16xi32>
    %eq3A_212 = arith.cmpi eq, %select_n3A, %eq3A_211 : vector<2048x16xi32>
    %and3A_213 = vector.broadcast %lt3A_189 : vector<2048x1xi1> to vector<2048x16xi1>
    %and3A_214 = arith.andi %and3A_213, %eq3A_212 : vector<2048x16xi1>
    %or3A_215 = arith.ori %or3A_209, %and3A_214 : vector<2048x16xi1>
    %jit3A_216 = arith.constant 0.000000e+00 : f32
    %broadcast_in_dim3A_217 = vector.broadcast %jit3A_216 : f32 to vector<2048x16xf32>
    %select_n3A_218 = arith.select %or3A_215, %logistic3A_10, %broadcast_in_dim3A_217 : vector<2048x16xi1>, vector<2048x16xf32>
    %reduce_max3A_219 = arith.constant dense<0xFF800000> : vector<2048xf32>
    %reduce_max3A_220 = vector.multi_reduction <maximumf>, %select_n3A_218, %reduce_max3A_219 [1] : vector<2048x16xf32> to vector<2048xf32>
    %broadcast_in_dim3A_221 = vector.shape_cast %reduce_max3A_220 : vector<2048xf32> to vector<2048x1xf32>
    %eq3A_222 = vector.broadcast %broadcast_in_dim3A_221 : vector<2048x1xf32> to vector<2048x16xf32>
    %eq3A_223 = arith.cmpf oeq, %select_n3A_218, %eq3A_222 : vector<2048x16xf32>
    %jit3A_224 = arith.constant 999 : i32
    %broadcast_in_dim3A_225 = vector.broadcast %jit3A_224 : i32 to vector<2048x16xi32>
    %select_n3A_226 = arith.select %eq3A_223, %iota3A, %broadcast_in_dim3A_225 : vector<2048x16xi1>, vector<2048x16xi32>
    %reduce_min3A = arith.constant dense<2147483647> : vector<2048xi32>
    %reduce_min3A_227 = vector.multi_reduction <minsi>, %select_n3A_226, %reduce_min3A [1] : vector<2048x16xi32> to vector<2048xi32>
    %broadcast_in_dim3A_228 = vector.shape_cast %reduce_min3A_227 : vector<2048xi32> to vector<2048x1xi32>
    %eq3A_229 = vector.broadcast %broadcast_in_dim3A_228 : vector<2048x1xi32> to vector<2048x16xi32>
    %eq3A_230 = arith.cmpi eq, %iota3A, %eq3A_229 : vector<2048x16xi32>
    %jit3A_231 = arith.constant -1.000000e+00 : f32
    %broadcast_in_dim3A_232 = vector.broadcast %jit3A_231 : f32 to vector<2048x16xf32>
    %select_n3A_233 = arith.select %eq3A_230, %broadcast_in_dim3A_232, %select_n3A_218 : vector<2048x16xi1>, vector<2048x16xf32>
    %reduce_max3A_234 = arith.constant dense<0xFF800000> : vector<2048xf32>
    %reduce_max3A_235 = vector.multi_reduction <maximumf>, %select_n3A_233, %reduce_max3A_234 [1] : vector<2048x16xf32> to vector<2048xf32>
    %broadcast_in_dim3A_236 = vector.shape_cast %reduce_max3A_235 : vector<2048xf32> to vector<2048x1xf32>
    %eq3A_237 = vector.broadcast %broadcast_in_dim3A_236 : vector<2048x1xf32> to vector<2048x16xf32>
    %eq3A_238 = arith.cmpf oeq, %select_n3A_233, %eq3A_237 : vector<2048x16xf32>
    %jit3A_239 = arith.constant 999 : i32
    %broadcast_in_dim3A_240 = vector.broadcast %jit3A_239 : i32 to vector<2048x16xi32>
    %select_n3A_241 = arith.select %eq3A_238, %iota3A, %broadcast_in_dim3A_240 : vector<2048x16xi1>, vector<2048x16xi32>
    %reduce_min3A_242 = arith.constant dense<2147483647> : vector<2048xi32>
    %reduce_min3A_243 = vector.multi_reduction <minsi>, %select_n3A_241, %reduce_min3A_242 [1] : vector<2048x16xi32> to vector<2048xi32>
    %broadcast_in_dim3A_244 = vector.shape_cast %reduce_min3A_243 : vector<2048xi32> to vector<2048x1xi32>
    %eq3A_245 = vector.broadcast %broadcast_in_dim3A_228 : vector<2048x1xi32> to vector<2048x16xi32>
    %eq3A_246 = arith.cmpi eq, %iota3A, %eq3A_245 : vector<2048x16xi32>
    %jit3A_247 = arith.constant 0.000000e+00 : f32
    %broadcast_in_dim3A_248 = vector.broadcast %jit3A_247 : f32 to vector<2048x16xf32>
    %select_n3A_249 = arith.select %eq3A_246, %logistic3A_10, %broadcast_in_dim3A_248 : vector<2048x16xi1>, vector<2048x16xf32>
    %reduce_sum3A = arith.constant dense<0.000000e+00> : vector<2048xf32>
    %reduce_sum3A_250 = vector.multi_reduction <add>, %select_n3A_249, %reduce_sum3A [1] : vector<2048x16xf32> to vector<2048xf32>
    %broadcast_in_dim3A_251 = vector.shape_cast %reduce_sum3A_250 : vector<2048xf32> to vector<2048x1xf32>
    %eq3A_252 = vector.broadcast %broadcast_in_dim3A_244 : vector<2048x1xi32> to vector<2048x16xi32>
    %eq3A_253 = arith.cmpi eq, %iota3A, %eq3A_252 : vector<2048x16xi32>
    %jit3A_254 = arith.constant 0.000000e+00 : f32
    %broadcast_in_dim3A_255 = vector.broadcast %jit3A_254 : f32 to vector<2048x16xf32>
    %select_n3A_256 = arith.select %eq3A_253, %logistic3A_10, %broadcast_in_dim3A_255 : vector<2048x16xi1>, vector<2048x16xf32>
    %reduce_sum3A_257 = arith.constant dense<0.000000e+00> : vector<2048xf32>
    %reduce_sum3A_258 = vector.multi_reduction <add>, %select_n3A_256, %reduce_sum3A_257 [1] : vector<2048x16xf32> to vector<2048xf32>
    %broadcast_in_dim3A_259 = vector.shape_cast %reduce_sum3A_258 : vector<2048xf32> to vector<2048x1xf32>
    %add3A_260 = arith.addf %broadcast_in_dim3A_251, %broadcast_in_dim3A_259 : vector<2048x1xf32>
    %div3A_261 = arith.divf %broadcast_in_dim3A_251, %add3A_260 : vector<2048x1xf32>
    %mul3A = arith.constant 2.500000e+00 : f32
    %mul3A_262 = vector.broadcast %mul3A : f32 to vector<2048x1xf32>
    %mul3A_263 = arith.mulf %div3A_261, %mul3A_262 : vector<2048x1xf32>
    %div3A_264 = arith.divf %broadcast_in_dim3A_259, %add3A_260 : vector<2048x1xf32>
    %mul3A_265 = arith.constant 2.500000e+00 : f32
    %mul3A_266 = vector.broadcast %mul3A_265 : f32 to vector<2048x1xf32>
    %mul3A_267 = arith.mulf %div3A_264, %mul3A_266 : vector<2048x1xf32>
    %eq3A_268 = vector.broadcast %broadcast_in_dim3A_228 : vector<2048x1xi32> to vector<2048x16xi32>
    %eq3A_269 = arith.cmpi eq, %iota3A, %eq3A_268 : vector<2048x16xi32>
    %convert_element_type3A_270 = arith.extui %eq3A_269 : vector<2048x16xi1> to vector<2048x16xi32>
    %convert_element_type3A_271 = arith.sitofp %convert_element_type3A_270 : vector<2048x16xi32> to vector<2048x16xf32>
    %eq3A_272 = vector.broadcast %broadcast_in_dim3A_244 : vector<2048x1xi32> to vector<2048x16xi32>
    %eq3A_273 = arith.cmpi eq, %iota3A, %eq3A_272 : vector<2048x16xi32>
    %convert_element_type3A_274 = arith.extui %eq3A_273 : vector<2048x16xi1> to vector<2048x16xi32>
    %convert_element_type3A_275 = arith.sitofp %convert_element_type3A_274 : vector<2048x16xi32> to vector<2048x16xf32>
    %add3A_276 = arith.addf %convert_element_type3A_271, %convert_element_type3A_275 : vector<2048x16xf32>
    %iota3A_277 = tpu.iota {dimensions = array<i32: 0>} : vector<256x256xi32>
    %iota3A_278 = tpu.iota {dimensions = array<i32: 1>} : vector<256x256xi32>
    %lt3A_279 = arith.cmpi slt, %iota3A_278, %iota3A_277 : vector<256x256xi32>
    %convert_element_type3A_280 = arith.extui %lt3A_279 : vector<256x256xi1> to vector<256x256xi32>
    %convert_element_type3A_281 = arith.sitofp %convert_element_type3A_280 : vector<256x256xi32> to vector<256x256xf32>
    %convert_element_type3A_282 = arith.truncf %convert_element_type3A_281 : vector<256x256xf32> to vector<256x256xbf16>
    %convert_element_type3A_283 = arith.truncf %add3A_276 : vector<2048x16xf32> to vector<2048x16xbf16>
    %broadcast_in_dim3A_284 = arith.constant 0.000000e+00 : f32
    %broadcast_in_dim3A_285 = vector.broadcast %broadcast_in_dim3A_284 : f32 to vector<1x16xf32>
    %slice3A = vector.extract_strided_slice %convert_element_type3A_283 {offsets = [0, 0], sizes = [256, 16], strides = [1, 1]} : vector<2048x16xbf16> to vector<256x16xbf16>
    %dot_general3A_286 = arith.constant dense<0.000000e+00> : vector<256x16xf32>
    %dot_general3A_287 = tpu.matmul %convert_element_type3A_282, %slice3A, %dot_general3A_286 {dimension_numbers = #tpu.dot_dimension_numbers<[1], [0], [0], [1], [0, 0, 1, 1], [], []>, transpose_lhs_hint = false} : vector<256x256xbf16>, vector<256x16xbf16>, vector<256x16xf32> -> vector<256x16xf32>
    %add3A_288 = vector.broadcast %broadcast_in_dim3A_285 : vector<1x16xf32> to vector<256x16xf32>
    %add3A_289 = arith.addf %dot_general3A_287, %add3A_288 : vector<256x16xf32>
    %convert_element_type3A_290 = arith.extf %slice3A : vector<256x16xbf16> to vector<256x16xf32>
    %reduce_sum3A_291 = arith.constant dense<0.000000e+00> : vector<16xf32>
    %reduce_sum3A_292 = vector.multi_reduction <add>, %convert_element_type3A_290, %reduce_sum3A_291 [0] : vector<256x16xf32> to vector<16xf32>
    %broadcast_in_dim3A_293 = vector.shape_cast %reduce_sum3A_292 : vector<16xf32> to vector<1x16xf32>
    %add3A_294 = arith.addf %broadcast_in_dim3A_285, %broadcast_in_dim3A_293 : vector<1x16xf32>
    %slice3A_295 = vector.extract_strided_slice %convert_element_type3A_283 {offsets = [256, 0], sizes = [256, 16], strides = [1, 1]} : vector<2048x16xbf16> to vector<256x16xbf16>
    %dot_general3A_296 = arith.constant dense<0.000000e+00> : vector<256x16xf32>
    %dot_general3A_297 = tpu.matmul %convert_element_type3A_282, %slice3A_295, %dot_general3A_296 {dimension_numbers = #tpu.dot_dimension_numbers<[1], [0], [0], [1], [0, 0, 1, 1], [], []>, transpose_lhs_hint = false} : vector<256x256xbf16>, vector<256x16xbf16>, vector<256x16xf32> -> vector<256x16xf32>
    %add3A_298 = vector.broadcast %add3A_294 : vector<1x16xf32> to vector<256x16xf32>
    %add3A_299 = arith.addf %dot_general3A_297, %add3A_298 : vector<256x16xf32>
    %convert_element_type3A_300 = arith.extf %slice3A_295 : vector<256x16xbf16> to vector<256x16xf32>
    %reduce_sum3A_301 = arith.constant dense<0.000000e+00> : vector<16xf32>
    %reduce_sum3A_302 = vector.multi_reduction <add>, %convert_element_type3A_300, %reduce_sum3A_301 [0] : vector<256x16xf32> to vector<16xf32>
    %broadcast_in_dim3A_303 = vector.shape_cast %reduce_sum3A_302 : vector<16xf32> to vector<1x16xf32>
    %add3A_304 = arith.addf %add3A_294, %broadcast_in_dim3A_303 : vector<1x16xf32>
    %slice3A_305 = vector.extract_strided_slice %convert_element_type3A_283 {offsets = [512, 0], sizes = [256, 16], strides = [1, 1]} : vector<2048x16xbf16> to vector<256x16xbf16>
    %dot_general3A_306 = arith.constant dense<0.000000e+00> : vector<256x16xf32>
    %dot_general3A_307 = tpu.matmul %convert_element_type3A_282, %slice3A_305, %dot_general3A_306 {dimension_numbers = #tpu.dot_dimension_numbers<[1], [0], [0], [1], [0, 0, 1, 1], [], []>, transpose_lhs_hint = false} : vector<256x256xbf16>, vector<256x16xbf16>, vector<256x16xf32> -> vector<256x16xf32>
    %add3A_308 = vector.broadcast %add3A_304 : vector<1x16xf32> to vector<256x16xf32>
    %add3A_309 = arith.addf %dot_general3A_307, %add3A_308 : vector<256x16xf32>
    %convert_element_type3A_310 = arith.extf %slice3A_305 : vector<256x16xbf16> to vector<256x16xf32>
    %reduce_sum3A_311 = arith.constant dense<0.000000e+00> : vector<16xf32>
    %reduce_sum3A_312 = vector.multi_reduction <add>, %convert_element_type3A_310, %reduce_sum3A_311 [0] : vector<256x16xf32> to vector<16xf32>
    %broadcast_in_dim3A_313 = vector.shape_cast %reduce_sum3A_312 : vector<16xf32> to vector<1x16xf32>
    %add3A_314 = arith.addf %add3A_304, %broadcast_in_dim3A_313 : vector<1x16xf32>
    %slice3A_315 = vector.extract_strided_slice %convert_element_type3A_283 {offsets = [768, 0], sizes = [256, 16], strides = [1, 1]} : vector<2048x16xbf16> to vector<256x16xbf16>
    %dot_general3A_316 = arith.constant dense<0.000000e+00> : vector<256x16xf32>
    %dot_general3A_317 = tpu.matmul %convert_element_type3A_282, %slice3A_315, %dot_general3A_316 {dimension_numbers = #tpu.dot_dimension_numbers<[1], [0], [0], [1], [0, 0, 1, 1], [], []>, transpose_lhs_hint = false} : vector<256x256xbf16>, vector<256x16xbf16>, vector<256x16xf32> -> vector<256x16xf32>
    %add3A_318 = vector.broadcast %add3A_314 : vector<1x16xf32> to vector<256x16xf32>
    %add3A_319 = arith.addf %dot_general3A_317, %add3A_318 : vector<256x16xf32>
    %convert_element_type3A_320 = arith.extf %slice3A_315 : vector<256x16xbf16> to vector<256x16xf32>
    %reduce_sum3A_321 = arith.constant dense<0.000000e+00> : vector<16xf32>
    %reduce_sum3A_322 = vector.multi_reduction <add>, %convert_element_type3A_320, %reduce_sum3A_321 [0] : vector<256x16xf32> to vector<16xf32>
    %broadcast_in_dim3A_323 = vector.shape_cast %reduce_sum3A_322 : vector<16xf32> to vector<1x16xf32>
    %add3A_324 = arith.addf %add3A_314, %broadcast_in_dim3A_323 : vector<1x16xf32>
    %slice3A_325 = vector.extract_strided_slice %convert_element_type3A_283 {offsets = [1024, 0], sizes = [256, 16], strides = [1, 1]} : vector<2048x16xbf16> to vector<256x16xbf16>
    %dot_general3A_326 = arith.constant dense<0.000000e+00> : vector<256x16xf32>
    %dot_general3A_327 = tpu.matmul %convert_element_type3A_282, %slice3A_325, %dot_general3A_326 {dimension_numbers = #tpu.dot_dimension_numbers<[1], [0], [0], [1], [0, 0, 1, 1], [], []>, transpose_lhs_hint = false} : vector<256x256xbf16>, vector<256x16xbf16>, vector<256x16xf32> -> vector<256x16xf32>
    %add3A_328 = vector.broadcast %add3A_324 : vector<1x16xf32> to vector<256x16xf32>
    %add3A_329 = arith.addf %dot_general3A_327, %add3A_328 : vector<256x16xf32>
    %convert_element_type3A_330 = arith.extf %slice3A_325 : vector<256x16xbf16> to vector<256x16xf32>
    %reduce_sum3A_331 = arith.constant dense<0.000000e+00> : vector<16xf32>
    %reduce_sum3A_332 = vector.multi_reduction <add>, %convert_element_type3A_330, %reduce_sum3A_331 [0] : vector<256x16xf32> to vector<16xf32>
    %broadcast_in_dim3A_333 = vector.shape_cast %reduce_sum3A_332 : vector<16xf32> to vector<1x16xf32>
    %add3A_334 = arith.addf %add3A_324, %broadcast_in_dim3A_333 : vector<1x16xf32>
    %slice3A_335 = vector.extract_strided_slice %convert_element_type3A_283 {offsets = [1280, 0], sizes = [256, 16], strides = [1, 1]} : vector<2048x16xbf16> to vector<256x16xbf16>
    %dot_general3A_336 = arith.constant dense<0.000000e+00> : vector<256x16xf32>
    %dot_general3A_337 = tpu.matmul %convert_element_type3A_282, %slice3A_335, %dot_general3A_336 {dimension_numbers = #tpu.dot_dimension_numbers<[1], [0], [0], [1], [0, 0, 1, 1], [], []>, transpose_lhs_hint = false} : vector<256x256xbf16>, vector<256x16xbf16>, vector<256x16xf32> -> vector<256x16xf32>
    %add3A_338 = vector.broadcast %add3A_334 : vector<1x16xf32> to vector<256x16xf32>
    %add3A_339 = arith.addf %dot_general3A_337, %add3A_338 : vector<256x16xf32>
    %convert_element_type3A_340 = arith.extf %slice3A_335 : vector<256x16xbf16> to vector<256x16xf32>
    %reduce_sum3A_341 = arith.constant dense<0.000000e+00> : vector<16xf32>
    %reduce_sum3A_342 = vector.multi_reduction <add>, %convert_element_type3A_340, %reduce_sum3A_341 [0] : vector<256x16xf32> to vector<16xf32>
    %broadcast_in_dim3A_343 = vector.shape_cast %reduce_sum3A_342 : vector<16xf32> to vector<1x16xf32>
    %add3A_344 = arith.addf %add3A_334, %broadcast_in_dim3A_343 : vector<1x16xf32>
    %slice3A_345 = vector.extract_strided_slice %convert_element_type3A_283 {offsets = [1536, 0], sizes = [256, 16], strides = [1, 1]} : vector<2048x16xbf16> to vector<256x16xbf16>
    %dot_general3A_346 = arith.constant dense<0.000000e+00> : vector<256x16xf32>
    %dot_general3A_347 = tpu.matmul %convert_element_type3A_282, %slice3A_345, %dot_general3A_346 {dimension_numbers = #tpu.dot_dimension_numbers<[1], [0], [0], [1], [0, 0, 1, 1], [], []>, transpose_lhs_hint = false} : vector<256x256xbf16>, vector<256x16xbf16>, vector<256x16xf32> -> vector<256x16xf32>
    %add3A_348 = vector.broadcast %add3A_344 : vector<1x16xf32> to vector<256x16xf32>
    %add3A_349 = arith.addf %dot_general3A_347, %add3A_348 : vector<256x16xf32>
    %convert_element_type3A_350 = arith.extf %slice3A_345 : vector<256x16xbf16> to vector<256x16xf32>
    %reduce_sum3A_351 = arith.constant dense<0.000000e+00> : vector<16xf32>
    %reduce_sum3A_352 = vector.multi_reduction <add>, %convert_element_type3A_350, %reduce_sum3A_351 [0] : vector<256x16xf32> to vector<16xf32>
    %broadcast_in_dim3A_353 = vector.shape_cast %reduce_sum3A_352 : vector<16xf32> to vector<1x16xf32>
    %add3A_354 = arith.addf %add3A_344, %broadcast_in_dim3A_353 : vector<1x16xf32>
    %slice3A_355 = vector.extract_strided_slice %convert_element_type3A_283 {offsets = [1792, 0], sizes = [256, 16], strides = [1, 1]} : vector<2048x16xbf16> to vector<256x16xbf16>
    %dot_general3A_356 = arith.constant dense<0.000000e+00> : vector<256x16xf32>
    %dot_general3A_357 = tpu.matmul %convert_element_type3A_282, %slice3A_355, %dot_general3A_356 {dimension_numbers = #tpu.dot_dimension_numbers<[1], [0], [0], [1], [0, 0, 1, 1], [], []>, transpose_lhs_hint = false} : vector<256x256xbf16>, vector<256x16xbf16>, vector<256x16xf32> -> vector<256x16xf32>
    %add3A_358 = vector.broadcast %add3A_354 : vector<1x16xf32> to vector<256x16xf32>
    %add3A_359 = arith.addf %dot_general3A_357, %add3A_358 : vector<256x16xf32>
    %concatenate3A = tpu.concatenate %add3A_289, %add3A_299, %add3A_309, %add3A_319, %add3A_329, %add3A_339, %add3A_349, %add3A_359 in 0 : vector<256x16xf32>, vector<256x16xf32>, vector<256x16xf32>, vector<256x16xf32>, vector<256x16xf32>, vector<256x16xf32>, vector<256x16xf32>, vector<256x16xf32> -> vector<2048x16xf32>
    %eq3A_360 = vector.broadcast %broadcast_in_dim3A_228 : vector<2048x1xi32> to vector<2048x16xi32>
    %eq3A_361 = arith.cmpi eq, %iota3A, %eq3A_360 : vector<2048x16xi32>
    %jit3A_362 = arith.constant 0.000000e+00 : f32
    %broadcast_in_dim3A_363 = vector.broadcast %jit3A_362 : f32 to vector<2048x16xf32>
    %select_n3A_364 = arith.select %eq3A_361, %concatenate3A, %broadcast_in_dim3A_363 : vector<2048x16xi1>, vector<2048x16xf32>
    %reduce_sum3A_365 = arith.constant dense<0.000000e+00> : vector<2048xf32>
    %reduce_sum3A_366 = vector.multi_reduction <add>, %select_n3A_364, %reduce_sum3A_365 [1] : vector<2048x16xf32> to vector<2048xf32>
    %broadcast_in_dim3A_367 = vector.shape_cast %reduce_sum3A_366 : vector<2048xf32> to vector<2048x1xf32>
    %eq3A_368 = vector.broadcast %broadcast_in_dim3A_244 : vector<2048x1xi32> to vector<2048x16xi32>
    %eq3A_369 = arith.cmpi eq, %iota3A, %eq3A_368 : vector<2048x16xi32>
    %jit3A_370 = arith.constant 0.000000e+00 : f32
    %broadcast_in_dim3A_371 = vector.broadcast %jit3A_370 : f32 to vector<2048x16xf32>
    %select_n3A_372 = arith.select %eq3A_369, %concatenate3A, %broadcast_in_dim3A_371 : vector<2048x16xi1>, vector<2048x16xf32>
    %reduce_sum3A_373 = arith.constant dense<0.000000e+00> : vector<2048xf32>
    %reduce_sum3A_374 = vector.multi_reduction <add>, %select_n3A_372, %reduce_sum3A_373 [1] : vector<2048x16xf32> to vector<2048xf32>
    %broadcast_in_dim3A_375 = vector.shape_cast %reduce_sum3A_374 : vector<2048xf32> to vector<2048x1xf32>
    %convert_element_type3A_376 = arith.fptosi %broadcast_in_dim3A_367 : vector<2048x1xf32> to vector<2048x1xi32>
    %convert_element_type3A_377 = arith.fptosi %broadcast_in_dim3A_375 : vector<2048x1xf32> to vector<2048x1xi32>
    %lt3A_378 = arith.constant 512 : i32
    %lt3A_379 = vector.broadcast %lt3A_378 : i32 to vector<2048x1xi32>
    %lt3A_380 = arith.cmpi slt, %convert_element_type3A_376, %lt3A_379 : vector<2048x1xi32>
    %lt3A_381 = arith.constant 512 : i32
    %lt3A_382 = vector.broadcast %lt3A_381 : i32 to vector<2048x1xi32>
    %lt3A_383 = arith.cmpi slt, %convert_element_type3A_377, %lt3A_382 : vector<2048x1xi32>
    %min3A = arith.constant 511 : i32
    %min3A_384 = vector.broadcast %min3A : i32 to vector<2048x1xi32>
    %min3A_385 = arith.minsi %convert_element_type3A_376, %min3A_384 : vector<2048x1xi32>
    %min3A_386 = arith.constant 511 : i32
    %min3A_387 = vector.broadcast %min3A_386 : i32 to vector<2048x1xi32>
    %min3A_388 = arith.minsi %convert_element_type3A_377, %min3A_387 : vector<2048x1xi32>
    %mul3A_389 = arith.constant 512 : i32
    %mul3A_390 = vector.broadcast %mul3A_389 : i32 to vector<2048x1xi32>
    %mul3A_391 = arith.muli %broadcast_in_dim3A_228, %mul3A_390 : vector<2048x1xi32>
    %add3A_392 = arith.addi %mul3A_391, %min3A_385 : vector<2048x1xi32>
    %mul3A_393 = arith.constant 512 : i32
    %mul3A_394 = vector.broadcast %mul3A_393 : i32 to vector<2048x1xi32>
    %mul3A_395 = arith.muli %broadcast_in_dim3A_244, %mul3A_394 : vector<2048x1xi32>
    %add3A_396 = arith.addi %mul3A_395, %min3A_388 : vector<2048x1xi32>
    %iota3A_397 = tpu.iota {dimensions = array<i32: 0>} : vector<2048x1xi32>
    %and3A_398 = arith.constant 7 : i32
    %and3A_399 = vector.broadcast %and3A_398 : i32 to vector<2048x1xi32>
    %and3A_400 = arith.andi %iota3A_397, %and3A_399 : vector<2048x1xi32>
    %add3A_401 = arith.constant 8192 : i32
    %add3A_402 = vector.broadcast %add3A_401 : i32 to vector<2048x1xi32>
    %add3A_403 = arith.addi %add3A_402, %and3A_400 : vector<2048x1xi32>
    %select_n3A_404 = arith.select %lt3A_380, %add3A_392, %add3A_403 : vector<2048x1xi1>, vector<2048x1xi32>
    %select_n3A_405 = arith.select %lt3A_383, %add3A_396, %add3A_403 : vector<2048x1xi1>, vector<2048x1xi32>
    %concatenate3A_406 = tpu.concatenate %select_n3A_404, %select_n3A_405 in 1 : vector<2048x1xi32>, vector<2048x1xi32> -> vector<2048x2xi32>
    %swap3A = arith.constant 0 : index
    %swap3A_407 = arith.constant 0 : index
    %swap3A_408 = vector.load %arg2[%swap3A, %swap3A_407] : memref<2048x2xi32, #tpu.memory_space<vmem>>, vector<2048x2xi32>
    tpu.vector_store %arg2[%swap3A, %swap3A_407], %concatenate3A_406 {strides = array<i32>} : memref<2048x2xi32, #tpu.memory_space<vmem>>, vector<2048x2xi32>,
    %concatenate3A_409 = tpu.concatenate %add3A_392, %add3A_396 in 1 : vector<2048x1xi32>, vector<2048x1xi32> -> vector<2048x2xi32>
    %swap3A_410 = arith.constant 0 : index
    %swap3A_411 = arith.constant 0 : index
    %swap3A_412 = vector.load %arg3[%swap3A_410, %swap3A_411] : memref<2048x2xi32, #tpu.memory_space<vmem>>, vector<2048x2xi32>
    tpu.vector_store %arg3[%swap3A_410, %swap3A_411], %concatenate3A_409 {strides = array<i32>} : memref<2048x2xi32, #tpu.memory_space<vmem>>, vector<2048x2xi32>,
    %jit3A_413 = arith.constant 0.000000e+00 : f32
    %broadcast_in_dim3A_414 = vector.broadcast %jit3A_413 : f32 to vector<2048x1xf32>
    %select_n3A_415 = arith.select %lt3A_380, %mul3A_263, %broadcast_in_dim3A_414 : vector<2048x1xi1>, vector<2048x1xf32>
    %jit3A_416 = arith.constant 0.000000e+00 : f32
    %broadcast_in_dim3A_417 = vector.broadcast %jit3A_416 : f32 to vector<2048x1xf32>
    %select_n3A_418 = arith.select %lt3A_383, %mul3A_267, %broadcast_in_dim3A_417 : vector<2048x1xi1>, vector<2048x1xf32>
    %concatenate3A_419 = tpu.concatenate %select_n3A_415, %select_n3A_418 in 1 : vector<2048x1xf32>, vector<2048x1xf32> -> vector<2048x2xf32>
    %swap3A_420 = arith.constant 0 : index
    %swap3A_421 = arith.constant 0 : index
    %swap3A_422 = vector.load %arg4[%swap3A_420, %swap3A_421] : memref<2048x2xf32, #tpu.memory_space<vmem>>, vector<2048x2xf32>
    tpu.vector_store %arg4[%swap3A_420, %swap3A_421], %concatenate3A_419 {strides = array<i32>} : memref<2048x2xf32, #tpu.memory_space<vmem>>, vector<2048x2xf32>,
    %reduce_sum3A_423 = arith.constant dense<0.000000e+00> : vector<16xf32>
    %reduce_sum3A_424 = vector.multi_reduction <add>, %add3A_276, %reduce_sum3A_423 [0] : vector<2048x16xf32> to vector<16xf32>
    %broadcast_in_dim3A_425 = vector.shape_cast %reduce_sum3A_424 : vector<16xf32> to vector<1x16xf32>
    %convert_element_type3A_426 = arith.fptosi %broadcast_in_dim3A_425 : vector<1x16xf32> to vector<1x16xi32>
    %swap3A_427 = arith.constant 0 : index
    %swap3A_428 = arith.constant 0 : index
    %swap3A_429 = vector.load %arg5[%swap3A_427, %swap3A_428] : memref<1x16xi32, #tpu.memory_space<vmem>>, vector<1x16xi32>
    tpu.vector_store %arg5[%swap3A_427, %swap3A_428], %convert_element_type3A_426 {strides = array<i32>} : memref<1x16xi32, #tpu.memory_space<vmem>>, vector<1x16xi32>,
    return
  }
}

module attributes {stable_mosaic.version = 14 : i64} {
  func.func @_ffn_body(%arg0: i32, %arg1: memref<1x16xi32, #tpu.memory_space<smem>>, %arg2: memref<512x1024xf32, #tpu.memory_space<vmem>>, %arg3: memref<1x1024x1024xf32, #tpu.memory_space<vmem>>, %arg4: memref<1x1024x1024xf32, #tpu.memory_space<vmem>>, %arg5: memref<1x1024x1024xf32, #tpu.memory_space<vmem>>, %arg6: memref<512x1024xf32, #tpu.memory_space<vmem>>) attributes {dimension_semantics = [#tpu.dimension_semantics<arbitrary>], iteration_bounds = array<i64: 16>, scalar_prefetch = 1 : i64, scratch_operands = 0 : i64, tpu.core_type = #tpu.core_type<tc>, window_params = [{transform_indices = @transform_0, window_bounds = array<i64: 512, 1024>}, {transform_indices = @transform_1, window_bounds = array<i64: 1, 1024, 1024>}, {transform_indices = @transform_2, window_bounds = array<i64: 1, 1024, 1024>}, {transform_indices = @transform_3, window_bounds = array<i64: 1, 1024, 1024>}, {transform_indices = @transform_4, window_bounds = array<i64: 512, 1024>}]} {
    %get3A = arith.constant 0 : index
    %get3A_0 = arith.index_cast %arg0 : i32 to index
    %get3A_1 = memref.load %arg1[%get3A, %get3A_0] : memref<1x16xi32, #tpu.memory_space<smem>>
    %min3A = arith.constant 512 : i32
    %min3A_2 = arith.minsi %get3A_1, %min3A : i32
    %add3A = arith.constant 64 : i32
    %add3A_3 = arith.addi %min3A_2, %add3A : i32
    %sub3A = arith.constant 1 : i32
    %sub3A_4 = arith.subi %add3A_3, %sub3A : i32
    %jit3A = arith.constant 64 : i32
    %div3A = arith.divsi %sub3A_4, %jit3A : i32
    %sign3A = arith.constant 0 : i32
    %sign3A_5 = arith.cmpi sgt, %sub3A_4, %sign3A : i32
    %sign3A_6 = arith.extui %sign3A_5 : i1 to i32
    %sign3A_7 = arith.constant 0 : i32
    %sign3A_8 = arith.cmpi slt, %sub3A_4, %sign3A_7 : i32
    %sign3A_9 = arith.extui %sign3A_8 : i1 to i32
    %sign3A_10 = arith.subi %sign3A_6, %sign3A_9 : i32
    %sign3A_11 = arith.constant 0 : i32
    %sign3A_12 = arith.cmpi sgt, %jit3A, %sign3A_11 : i32
    %sign3A_13 = arith.extui %sign3A_12 : i1 to i32
    %sign3A_14 = arith.constant 0 : i32
    %sign3A_15 = arith.cmpi slt, %jit3A, %sign3A_14 : i32
    %sign3A_16 = arith.extui %sign3A_15 : i1 to i32
    %sign3A_17 = arith.subi %sign3A_13, %sign3A_16 : i32
    %ne3A = arith.cmpi ne, %sign3A_10, %sign3A_17 : i32
    %rem3A = arith.remsi %sub3A_4, %jit3A : i32
    %ne3A_18 = arith.constant 0 : i32
    %ne3A_19 = arith.cmpi ne, %rem3A, %ne3A_18 : i32
    %and3A = arith.andi %ne3A, %ne3A_19 : i1
    %sub3A_20 = arith.constant 1 : i32
    %sub3A_21 = arith.subi %div3A, %sub3A_20 : i32
    %select_n3A = arith.select %and3A, %sub3A_21, %div3A : i32
    %gt3A = arith.constant 0 : i32
    %gt3A_22 = arith.cmpi sgt, %select_n3A, %gt3A : i32
    %convert_element_type3A = arith.extui %gt3A_22 : i1 to i32
    %cond3A = arith.constant 0 : i32
    %cond3A_23 = arith.cmpi ne, %convert_element_type3A, %cond3A : i32
    scf.if %cond3A_23 {
      %get3A_24 = arith.constant 0 : index
      %get3A_25 = arith.constant 0 : index
      %get3A_26 = arith.constant 0 : index
      %get3A_27 = vector.load %arg3[%get3A_24, %get3A_25, %get3A_26] : memref<1x1024x1024xf32, #tpu.memory_space<vmem>>, vector<1x1024x1024xf32>
      %get3A_28 = vector.shape_cast %get3A_27 : vector<1x1024x1024xf32> to vector<1024x1024xf32>
      %convert_element_type3A_29 = arith.truncf %get3A_28 : vector<1024x1024xf32> to vector<1024x1024xbf16>
      %get3A_30 = arith.constant 0 : index
      %get3A_31 = arith.constant 0 : index
      %get3A_32 = arith.constant 0 : index
      %get3A_33 = vector.load %arg4[%get3A_30, %get3A_31, %get3A_32] : memref<1x1024x1024xf32, #tpu.memory_space<vmem>>, vector<1x1024x1024xf32>
      %get3A_34 = vector.shape_cast %get3A_33 : vector<1x1024x1024xf32> to vector<1024x1024xf32>
      %convert_element_type3A_35 = arith.truncf %get3A_34 : vector<1024x1024xf32> to vector<1024x1024xbf16>
      %get3A_36 = arith.constant 0 : index
      %get3A_37 = arith.constant 0 : index
      %get3A_38 = arith.constant 0 : index
      %get3A_39 = vector.load %arg5[%get3A_36, %get3A_37, %get3A_38] : memref<1x1024x1024xf32, #tpu.memory_space<vmem>>, vector<1x1024x1024xf32>
      %get3A_40 = vector.shape_cast %get3A_39 : vector<1x1024x1024xf32> to vector<1024x1024xf32>
      %convert_element_type3A_41 = arith.truncf %get3A_40 : vector<1024x1024xf32> to vector<1024x1024xbf16>
      %sub3A_42 = arith.constant 1 : i32
      %sub3A_43 = arith.subi %select_n3A, %sub3A_42 : i32
      %clamp3A = arith.constant 0 : i32
      %clamp3A_44 = arith.constant 7 : i32
      %clamp3A_45 = arith.maxsi %sub3A_43, %clamp3A : i32
      %clamp3A_46 = arith.minsi %clamp3A_45, %clamp3A_44 : i32
      %cond3A_47 = arith.constant 0 : i32
      %cond3A_48 = arith.cmpi ne, %clamp3A_46, %cond3A_47 : i32
      scf.if %cond3A_48 {
        %cond3A_49 = arith.constant 1 : i32
        %cond3A_50 = arith.subi %clamp3A_46, %cond3A_49 : i32
        %cond3A_51 = arith.constant 0 : i32
        %cond3A_52 = arith.cmpi ne, %cond3A_50, %cond3A_51 : i32
        scf.if %cond3A_52 {
          %cond3A_53 = arith.constant 1 : i32
          %cond3A_54 = arith.subi %cond3A_50, %cond3A_53 : i32
          %cond3A_55 = arith.constant 0 : i32
          %cond3A_56 = arith.cmpi ne, %cond3A_54, %cond3A_55 : i32
          scf.if %cond3A_56 {
            %cond3A_57 = arith.constant 1 : i32
            %cond3A_58 = arith.subi %cond3A_54, %cond3A_57 : i32
            %cond3A_59 = arith.constant 0 : i32
            %cond3A_60 = arith.cmpi ne, %cond3A_58, %cond3A_59 : i32
            scf.if %cond3A_60 {
              %cond3A_61 = arith.constant 1 : i32
              %cond3A_62 = arith.subi %cond3A_58, %cond3A_61 : i32
              %cond3A_63 = arith.constant 0 : i32
              %cond3A_64 = arith.cmpi ne, %cond3A_62, %cond3A_63 : i32
              scf.if %cond3A_64 {
                %cond3A_65 = arith.constant 1 : i32
                %cond3A_66 = arith.subi %cond3A_62, %cond3A_65 : i32
                %cond3A_67 = arith.constant 0 : i32
                %cond3A_68 = arith.cmpi ne, %cond3A_66, %cond3A_67 : i32
                scf.if %cond3A_68 {
                  %cond3A_69 = arith.constant 1 : i32
                  %cond3A_70 = arith.subi %cond3A_66, %cond3A_69 : i32
                  %cond3A_71 = arith.constant 0 : i32
                  %cond3A_72 = arith.cmpi ne, %cond3A_70, %cond3A_71 : i32
                  scf.if %cond3A_72 {
                    %get3A_73 = arith.constant 0 : index
                    %get3A_74 = arith.constant 0 : index
                    %get3A_75 = vector.load %arg2[%get3A_73, %get3A_74] : memref<512x1024xf32, #tpu.memory_space<vmem>>, vector<512x1024xf32>
                    %convert_element_type3A_76 = arith.truncf %get3A_75 : vector<512x1024xf32> to vector<512x1024xbf16>
                    %dot_general3A = arith.constant dense<0.000000e+00> : vector<512x1024xf32>
                    %dot_general3A_77 = tpu.matmul %convert_element_type3A_76, %convert_element_type3A_29, %dot_general3A {dimension_numbers = #tpu.dot_dimension_numbers<[1], [1], [0], [0], [0, 0, 1, 0], [], []>, transpose_lhs_hint = false} : vector<512x1024xbf16>, vector<1024x1024xbf16>, vector<512x1024xf32> -> vector<512x1024xf32>
                    %dot_general3A_78 = arith.constant dense<0.000000e+00> : vector<512x1024xf32>
                    %dot_general3A_79 = tpu.matmul %convert_element_type3A_76, %convert_element_type3A_35, %dot_general3A_78 {dimension_numbers = #tpu.dot_dimension_numbers<[1], [1], [0], [0], [0, 0, 1, 0], [], []>, transpose_lhs_hint = false} : vector<512x1024xbf16>, vector<1024x1024xbf16>, vector<512x1024xf32> -> vector<512x1024xf32>
                    %logistic3A = arith.negf %dot_general3A_77 : vector<512x1024xf32>
                    %logistic3A_80 = math.exp %logistic3A : vector<512x1024xf32>
                    %logistic3A_81 = arith.constant 1.000000e+00 : f32
                    %logistic3A_82 = vector.broadcast %logistic3A_81 : f32 to vector<512x1024xf32>
                    %logistic3A_83 = arith.addf %logistic3A_82, %logistic3A_80 : vector<512x1024xf32>
                    %logistic3A_84 = arith.divf %logistic3A_82, %logistic3A_83 : vector<512x1024xf32>
                    %mul3A = arith.mulf %dot_general3A_77, %logistic3A_84 : vector<512x1024xf32>
                    %mul3A_85 = arith.mulf %mul3A, %dot_general3A_79 : vector<512x1024xf32>
                    %convert_element_type3A_86 = arith.truncf %mul3A_85 : vector<512x1024xf32> to vector<512x1024xbf16>
                    %dot_general3A_87 = arith.constant dense<0.000000e+00> : vector<512x1024xf32>
                    %dot_general3A_88 = tpu.matmul %convert_element_type3A_86, %convert_element_type3A_41, %dot_general3A_87 {dimension_numbers = #tpu.dot_dimension_numbers<[1], [1], [0], [0], [0, 0, 1, 0], [], []>, transpose_lhs_hint = false} : vector<512x1024xbf16>, vector<1024x1024xbf16>, vector<512x1024xf32> -> vector<512x1024xf32>
                    %swap3A = arith.constant 0 : index
                    %swap3A_89 = arith.constant 0 : index
                    %swap3A_90 = vector.load %arg6[%swap3A, %swap3A_89] : memref<512x1024xf32, #tpu.memory_space<vmem>>, vector<512x1024xf32>
                    tpu.vector_store %arg6[%swap3A, %swap3A_89], %dot_general3A_88 {strides = array<i32>} : memref<512x1024xf32, #tpu.memory_space<vmem>>, vector<512x1024xf32>,
                  } else {
                    %get3A_73 = arith.constant 0 : index
                    %get3A_74 = arith.constant 0 : index
                    %get3A_75 = vector.load %arg2[%get3A_73, %get3A_74] : memref<512x1024xf32, #tpu.memory_space<vmem>>, vector<448x1024xf32>
                    %convert_element_type3A_76 = arith.truncf %get3A_75 : vector<448x1024xf32> to vector<448x1024xbf16>
                    %dot_general3A = arith.constant dense<0.000000e+00> : vector<448x1024xf32>
                    %dot_general3A_77 = tpu.matmul %convert_element_type3A_76, %convert_element_type3A_29, %dot_general3A {dimension_numbers = #tpu.dot_dimension_numbers<[1], [1], [0], [0], [0, 0, 1, 0], [], []>, transpose_lhs_hint = false} : vector<448x1024xbf16>, vector<1024x1024xbf16>, vector<448x1024xf32> -> vector<448x1024xf32>
                    %dot_general3A_78 = arith.constant dense<0.000000e+00> : vector<448x1024xf32>
                    %dot_general3A_79 = tpu.matmul %convert_element_type3A_76, %convert_element_type3A_35, %dot_general3A_78 {dimension_numbers = #tpu.dot_dimension_numbers<[1], [1], [0], [0], [0, 0, 1, 0], [], []>, transpose_lhs_hint = false} : vector<448x1024xbf16>, vector<1024x1024xbf16>, vector<448x1024xf32> -> vector<448x1024xf32>
                    %logistic3A = arith.negf %dot_general3A_77 : vector<448x1024xf32>
                    %logistic3A_80 = math.exp %logistic3A : vector<448x1024xf32>
                    %logistic3A_81 = arith.constant 1.000000e+00 : f32
                    %logistic3A_82 = vector.broadcast %logistic3A_81 : f32 to vector<448x1024xf32>
                    %logistic3A_83 = arith.addf %logistic3A_82, %logistic3A_80 : vector<448x1024xf32>
                    %logistic3A_84 = arith.divf %logistic3A_82, %logistic3A_83 : vector<448x1024xf32>
                    %mul3A = arith.mulf %dot_general3A_77, %logistic3A_84 : vector<448x1024xf32>
                    %mul3A_85 = arith.mulf %mul3A, %dot_general3A_79 : vector<448x1024xf32>
                    %convert_element_type3A_86 = arith.truncf %mul3A_85 : vector<448x1024xf32> to vector<448x1024xbf16>
                    %dot_general3A_87 = arith.constant dense<0.000000e+00> : vector<448x1024xf32>
                    %dot_general3A_88 = tpu.matmul %convert_element_type3A_86, %convert_element_type3A_41, %dot_general3A_87 {dimension_numbers = #tpu.dot_dimension_numbers<[1], [1], [0], [0], [0, 0, 1, 0], [], []>, transpose_lhs_hint = false} : vector<448x1024xbf16>, vector<1024x1024xbf16>, vector<448x1024xf32> -> vector<448x1024xf32>
                    %swap3A = arith.constant 0 : index
                    %swap3A_89 = arith.constant 0 : index
                    %swap3A_90 = vector.load %arg6[%swap3A, %swap3A_89] : memref<512x1024xf32, #tpu.memory_space<vmem>>, vector<448x1024xf32>
                    tpu.vector_store %arg6[%swap3A, %swap3A_89], %dot_general3A_88 {strides = array<i32>} : memref<512x1024xf32, #tpu.memory_space<vmem>>, vector<448x1024xf32>,
                  }
                } else {
                  %get3A_69 = arith.constant 0 : index
                  %get3A_70 = arith.constant 0 : index
                  %get3A_71 = vector.load %arg2[%get3A_69, %get3A_70] : memref<512x1024xf32, #tpu.memory_space<vmem>>, vector<384x1024xf32>
                  %convert_element_type3A_72 = arith.truncf %get3A_71 : vector<384x1024xf32> to vector<384x1024xbf16>
                  %dot_general3A = arith.constant dense<0.000000e+00> : vector<384x1024xf32>
                  %dot_general3A_73 = tpu.matmul %convert_element_type3A_72, %convert_element_type3A_29, %dot_general3A {dimension_numbers = #tpu.dot_dimension_numbers<[1], [1], [0], [0], [0, 0, 1, 0], [], []>, transpose_lhs_hint = false} : vector<384x1024xbf16>, vector<1024x1024xbf16>, vector<384x1024xf32> -> vector<384x1024xf32>
                  %dot_general3A_74 = arith.constant dense<0.000000e+00> : vector<384x1024xf32>
                  %dot_general3A_75 = tpu.matmul %convert_element_type3A_72, %convert_element_type3A_35, %dot_general3A_74 {dimension_numbers = #tpu.dot_dimension_numbers<[1], [1], [0], [0], [0, 0, 1, 0], [], []>, transpose_lhs_hint = false} : vector<384x1024xbf16>, vector<1024x1024xbf16>, vector<384x1024xf32> -> vector<384x1024xf32>
                  %logistic3A = arith.negf %dot_general3A_73 : vector<384x1024xf32>
                  %logistic3A_76 = math.exp %logistic3A : vector<384x1024xf32>
                  %logistic3A_77 = arith.constant 1.000000e+00 : f32
                  %logistic3A_78 = vector.broadcast %logistic3A_77 : f32 to vector<384x1024xf32>
                  %logistic3A_79 = arith.addf %logistic3A_78, %logistic3A_76 : vector<384x1024xf32>
                  %logistic3A_80 = arith.divf %logistic3A_78, %logistic3A_79 : vector<384x1024xf32>
                  %mul3A = arith.mulf %dot_general3A_73, %logistic3A_80 : vector<384x1024xf32>
                  %mul3A_81 = arith.mulf %mul3A, %dot_general3A_75 : vector<384x1024xf32>
                  %convert_element_type3A_82 = arith.truncf %mul3A_81 : vector<384x1024xf32> to vector<384x1024xbf16>
                  %dot_general3A_83 = arith.constant dense<0.000000e+00> : vector<384x1024xf32>
                  %dot_general3A_84 = tpu.matmul %convert_element_type3A_82, %convert_element_type3A_41, %dot_general3A_83 {dimension_numbers = #tpu.dot_dimension_numbers<[1], [1], [0], [0], [0, 0, 1, 0], [], []>, transpose_lhs_hint = false} : vector<384x1024xbf16>, vector<1024x1024xbf16>, vector<384x1024xf32> -> vector<384x1024xf32>
                  %swap3A = arith.constant 0 : index
                  %swap3A_85 = arith.constant 0 : index
                  %swap3A_86 = vector.load %arg6[%swap3A, %swap3A_85] : memref<512x1024xf32, #tpu.memory_space<vmem>>, vector<384x1024xf32>
                  tpu.vector_store %arg6[%swap3A, %swap3A_85], %dot_general3A_84 {strides = array<i32>} : memref<512x1024xf32, #tpu.memory_space<vmem>>, vector<384x1024xf32>,
                }
              } else {
                %get3A_65 = arith.constant 0 : index
                %get3A_66 = arith.constant 0 : index
                %get3A_67 = vector.load %arg2[%get3A_65, %get3A_66] : memref<512x1024xf32, #tpu.memory_space<vmem>>, vector<320x1024xf32>
                %convert_element_type3A_68 = arith.truncf %get3A_67 : vector<320x1024xf32> to vector<320x1024xbf16>
                %dot_general3A = arith.constant dense<0.000000e+00> : vector<320x1024xf32>
                %dot_general3A_69 = tpu.matmul %convert_element_type3A_68, %convert_element_type3A_29, %dot_general3A {dimension_numbers = #tpu.dot_dimension_numbers<[1], [1], [0], [0], [0, 0, 1, 0], [], []>, transpose_lhs_hint = false} : vector<320x1024xbf16>, vector<1024x1024xbf16>, vector<320x1024xf32> -> vector<320x1024xf32>
                %dot_general3A_70 = arith.constant dense<0.000000e+00> : vector<320x1024xf32>
                %dot_general3A_71 = tpu.matmul %convert_element_type3A_68, %convert_element_type3A_35, %dot_general3A_70 {dimension_numbers = #tpu.dot_dimension_numbers<[1], [1], [0], [0], [0, 0, 1, 0], [], []>, transpose_lhs_hint = false} : vector<320x1024xbf16>, vector<1024x1024xbf16>, vector<320x1024xf32> -> vector<320x1024xf32>
                %logistic3A = arith.negf %dot_general3A_69 : vector<320x1024xf32>
                %logistic3A_72 = math.exp %logistic3A : vector<320x1024xf32>
                %logistic3A_73 = arith.constant 1.000000e+00 : f32
                %logistic3A_74 = vector.broadcast %logistic3A_73 : f32 to vector<320x1024xf32>
                %logistic3A_75 = arith.addf %logistic3A_74, %logistic3A_72 : vector<320x1024xf32>
                %logistic3A_76 = arith.divf %logistic3A_74, %logistic3A_75 : vector<320x1024xf32>
                %mul3A = arith.mulf %dot_general3A_69, %logistic3A_76 : vector<320x1024xf32>
                %mul3A_77 = arith.mulf %mul3A, %dot_general3A_71 : vector<320x1024xf32>
                %convert_element_type3A_78 = arith.truncf %mul3A_77 : vector<320x1024xf32> to vector<320x1024xbf16>
                %dot_general3A_79 = arith.constant dense<0.000000e+00> : vector<320x1024xf32>
                %dot_general3A_80 = tpu.matmul %convert_element_type3A_78, %convert_element_type3A_41, %dot_general3A_79 {dimension_numbers = #tpu.dot_dimension_numbers<[1], [1], [0], [0], [0, 0, 1, 0], [], []>, transpose_lhs_hint = false} : vector<320x1024xbf16>, vector<1024x1024xbf16>, vector<320x1024xf32> -> vector<320x1024xf32>
                %swap3A = arith.constant 0 : index
                %swap3A_81 = arith.constant 0 : index
                %swap3A_82 = vector.load %arg6[%swap3A, %swap3A_81] : memref<512x1024xf32, #tpu.memory_space<vmem>>, vector<320x1024xf32>
                tpu.vector_store %arg6[%swap3A, %swap3A_81], %dot_general3A_80 {strides = array<i32>} : memref<512x1024xf32, #tpu.memory_space<vmem>>, vector<320x1024xf32>,
              }
            } else {
              %get3A_61 = arith.constant 0 : index
              %get3A_62 = arith.constant 0 : index
              %get3A_63 = vector.load %arg2[%get3A_61, %get3A_62] : memref<512x1024xf32, #tpu.memory_space<vmem>>, vector<256x1024xf32>
              %convert_element_type3A_64 = arith.truncf %get3A_63 : vector<256x1024xf32> to vector<256x1024xbf16>
              %dot_general3A = arith.constant dense<0.000000e+00> : vector<256x1024xf32>
              %dot_general3A_65 = tpu.matmul %convert_element_type3A_64, %convert_element_type3A_29, %dot_general3A {dimension_numbers = #tpu.dot_dimension_numbers<[1], [1], [0], [0], [0, 0, 1, 0], [], []>, transpose_lhs_hint = false} : vector<256x1024xbf16>, vector<1024x1024xbf16>, vector<256x1024xf32> -> vector<256x1024xf32>
              %dot_general3A_66 = arith.constant dense<0.000000e+00> : vector<256x1024xf32>
              %dot_general3A_67 = tpu.matmul %convert_element_type3A_64, %convert_element_type3A_35, %dot_general3A_66 {dimension_numbers = #tpu.dot_dimension_numbers<[1], [1], [0], [0], [0, 0, 1, 0], [], []>, transpose_lhs_hint = false} : vector<256x1024xbf16>, vector<1024x1024xbf16>, vector<256x1024xf32> -> vector<256x1024xf32>
              %logistic3A = arith.negf %dot_general3A_65 : vector<256x1024xf32>
              %logistic3A_68 = math.exp %logistic3A : vector<256x1024xf32>
              %logistic3A_69 = arith.constant 1.000000e+00 : f32
              %logistic3A_70 = vector.broadcast %logistic3A_69 : f32 to vector<256x1024xf32>
              %logistic3A_71 = arith.addf %logistic3A_70, %logistic3A_68 : vector<256x1024xf32>
              %logistic3A_72 = arith.divf %logistic3A_70, %logistic3A_71 : vector<256x1024xf32>
              %mul3A = arith.mulf %dot_general3A_65, %logistic3A_72 : vector<256x1024xf32>
              %mul3A_73 = arith.mulf %mul3A, %dot_general3A_67 : vector<256x1024xf32>
              %convert_element_type3A_74 = arith.truncf %mul3A_73 : vector<256x1024xf32> to vector<256x1024xbf16>
              %dot_general3A_75 = arith.constant dense<0.000000e+00> : vector<256x1024xf32>
              %dot_general3A_76 = tpu.matmul %convert_element_type3A_74, %convert_element_type3A_41, %dot_general3A_75 {dimension_numbers = #tpu.dot_dimension_numbers<[1], [1], [0], [0], [0, 0, 1, 0], [], []>, transpose_lhs_hint = false} : vector<256x1024xbf16>, vector<1024x1024xbf16>, vector<256x1024xf32> -> vector<256x1024xf32>
              %swap3A = arith.constant 0 : index
              %swap3A_77 = arith.constant 0 : index
              %swap3A_78 = vector.load %arg6[%swap3A, %swap3A_77] : memref<512x1024xf32, #tpu.memory_space<vmem>>, vector<256x1024xf32>
              tpu.vector_store %arg6[%swap3A, %swap3A_77], %dot_general3A_76 {strides = array<i32>} : memref<512x1024xf32, #tpu.memory_space<vmem>>, vector<256x1024xf32>,
            }
          } else {
            %get3A_57 = arith.constant 0 : index
            %get3A_58 = arith.constant 0 : index
            %get3A_59 = vector.load %arg2[%get3A_57, %get3A_58] : memref<512x1024xf32, #tpu.memory_space<vmem>>, vector<192x1024xf32>
            %convert_element_type3A_60 = arith.truncf %get3A_59 : vector<192x1024xf32> to vector<192x1024xbf16>
            %dot_general3A = arith.constant dense<0.000000e+00> : vector<192x1024xf32>
            %dot_general3A_61 = tpu.matmul %convert_element_type3A_60, %convert_element_type3A_29, %dot_general3A {dimension_numbers = #tpu.dot_dimension_numbers<[1], [1], [0], [0], [0, 0, 1, 0], [], []>, transpose_lhs_hint = false} : vector<192x1024xbf16>, vector<1024x1024xbf16>, vector<192x1024xf32> -> vector<192x1024xf32>
            %dot_general3A_62 = arith.constant dense<0.000000e+00> : vector<192x1024xf32>
            %dot_general3A_63 = tpu.matmul %convert_element_type3A_60, %convert_element_type3A_35, %dot_general3A_62 {dimension_numbers = #tpu.dot_dimension_numbers<[1], [1], [0], [0], [0, 0, 1, 0], [], []>, transpose_lhs_hint = false} : vector<192x1024xbf16>, vector<1024x1024xbf16>, vector<192x1024xf32> -> vector<192x1024xf32>
            %logistic3A = arith.negf %dot_general3A_61 : vector<192x1024xf32>
            %logistic3A_64 = math.exp %logistic3A : vector<192x1024xf32>
            %logistic3A_65 = arith.constant 1.000000e+00 : f32
            %logistic3A_66 = vector.broadcast %logistic3A_65 : f32 to vector<192x1024xf32>
            %logistic3A_67 = arith.addf %logistic3A_66, %logistic3A_64 : vector<192x1024xf32>
            %logistic3A_68 = arith.divf %logistic3A_66, %logistic3A_67 : vector<192x1024xf32>
            %mul3A = arith.mulf %dot_general3A_61, %logistic3A_68 : vector<192x1024xf32>
            %mul3A_69 = arith.mulf %mul3A, %dot_general3A_63 : vector<192x1024xf32>
            %convert_element_type3A_70 = arith.truncf %mul3A_69 : vector<192x1024xf32> to vector<192x1024xbf16>
            %dot_general3A_71 = arith.constant dense<0.000000e+00> : vector<192x1024xf32>
            %dot_general3A_72 = tpu.matmul %convert_element_type3A_70, %convert_element_type3A_41, %dot_general3A_71 {dimension_numbers = #tpu.dot_dimension_numbers<[1], [1], [0], [0], [0, 0, 1, 0], [], []>, transpose_lhs_hint = false} : vector<192x1024xbf16>, vector<1024x1024xbf16>, vector<192x1024xf32> -> vector<192x1024xf32>
            %swap3A = arith.constant 0 : index
            %swap3A_73 = arith.constant 0 : index
            %swap3A_74 = vector.load %arg6[%swap3A, %swap3A_73] : memref<512x1024xf32, #tpu.memory_space<vmem>>, vector<192x1024xf32>
            tpu.vector_store %arg6[%swap3A, %swap3A_73], %dot_general3A_72 {strides = array<i32>} : memref<512x1024xf32, #tpu.memory_space<vmem>>, vector<192x1024xf32>,
          }
        } else {
          %get3A_53 = arith.constant 0 : index
          %get3A_54 = arith.constant 0 : index
          %get3A_55 = vector.load %arg2[%get3A_53, %get3A_54] : memref<512x1024xf32, #tpu.memory_space<vmem>>, vector<128x1024xf32>
          %convert_element_type3A_56 = arith.truncf %get3A_55 : vector<128x1024xf32> to vector<128x1024xbf16>
          %dot_general3A = arith.constant dense<0.000000e+00> : vector<128x1024xf32>
          %dot_general3A_57 = tpu.matmul %convert_element_type3A_56, %convert_element_type3A_29, %dot_general3A {dimension_numbers = #tpu.dot_dimension_numbers<[1], [1], [0], [0], [0, 0, 1, 0], [], []>, transpose_lhs_hint = false} : vector<128x1024xbf16>, vector<1024x1024xbf16>, vector<128x1024xf32> -> vector<128x1024xf32>
          %dot_general3A_58 = arith.constant dense<0.000000e+00> : vector<128x1024xf32>
          %dot_general3A_59 = tpu.matmul %convert_element_type3A_56, %convert_element_type3A_35, %dot_general3A_58 {dimension_numbers = #tpu.dot_dimension_numbers<[1], [1], [0], [0], [0, 0, 1, 0], [], []>, transpose_lhs_hint = false} : vector<128x1024xbf16>, vector<1024x1024xbf16>, vector<128x1024xf32> -> vector<128x1024xf32>
          %logistic3A = arith.negf %dot_general3A_57 : vector<128x1024xf32>
          %logistic3A_60 = math.exp %logistic3A : vector<128x1024xf32>
          %logistic3A_61 = arith.constant 1.000000e+00 : f32
          %logistic3A_62 = vector.broadcast %logistic3A_61 : f32 to vector<128x1024xf32>
          %logistic3A_63 = arith.addf %logistic3A_62, %logistic3A_60 : vector<128x1024xf32>
          %logistic3A_64 = arith.divf %logistic3A_62, %logistic3A_63 : vector<128x1024xf32>
          %mul3A = arith.mulf %dot_general3A_57, %logistic3A_64 : vector<128x1024xf32>
          %mul3A_65 = arith.mulf %mul3A, %dot_general3A_59 : vector<128x1024xf32>
          %convert_element_type3A_66 = arith.truncf %mul3A_65 : vector<128x1024xf32> to vector<128x1024xbf16>
          %dot_general3A_67 = arith.constant dense<0.000000e+00> : vector<128x1024xf32>
          %dot_general3A_68 = tpu.matmul %convert_element_type3A_66, %convert_element_type3A_41, %dot_general3A_67 {dimension_numbers = #tpu.dot_dimension_numbers<[1], [1], [0], [0], [0, 0, 1, 0], [], []>, transpose_lhs_hint = false} : vector<128x1024xbf16>, vector<1024x1024xbf16>, vector<128x1024xf32> -> vector<128x1024xf32>
          %swap3A = arith.constant 0 : index
          %swap3A_69 = arith.constant 0 : index
          %swap3A_70 = vector.load %arg6[%swap3A, %swap3A_69] : memref<512x1024xf32, #tpu.memory_space<vmem>>, vector<128x1024xf32>
          tpu.vector_store %arg6[%swap3A, %swap3A_69], %dot_general3A_68 {strides = array<i32>} : memref<512x1024xf32, #tpu.memory_space<vmem>>, vector<128x1024xf32>,
        }
      } else {
        %get3A_49 = arith.constant 0 : index
        %get3A_50 = arith.constant 0 : index
        %get3A_51 = vector.load %arg2[%get3A_49, %get3A_50] : memref<512x1024xf32, #tpu.memory_space<vmem>>, vector<64x1024xf32>
        %convert_element_type3A_52 = arith.truncf %get3A_51 : vector<64x1024xf32> to vector<64x1024xbf16>
        %dot_general3A = arith.constant dense<0.000000e+00> : vector<64x1024xf32>
        %dot_general3A_53 = tpu.matmul %convert_element_type3A_52, %convert_element_type3A_29, %dot_general3A {dimension_numbers = #tpu.dot_dimension_numbers<[1], [1], [0], [0], [0, 0, 1, 0], [], []>, transpose_lhs_hint = false} : vector<64x1024xbf16>, vector<1024x1024xbf16>, vector<64x1024xf32> -> vector<64x1024xf32>
        %dot_general3A_54 = arith.constant dense<0.000000e+00> : vector<64x1024xf32>
        %dot_general3A_55 = tpu.matmul %convert_element_type3A_52, %convert_element_type3A_35, %dot_general3A_54 {dimension_numbers = #tpu.dot_dimension_numbers<[1], [1], [0], [0], [0, 0, 1, 0], [], []>, transpose_lhs_hint = false} : vector<64x1024xbf16>, vector<1024x1024xbf16>, vector<64x1024xf32> -> vector<64x1024xf32>
        %logistic3A = arith.negf %dot_general3A_53 : vector<64x1024xf32>
        %logistic3A_56 = math.exp %logistic3A : vector<64x1024xf32>
        %logistic3A_57 = arith.constant 1.000000e+00 : f32
        %logistic3A_58 = vector.broadcast %logistic3A_57 : f32 to vector<64x1024xf32>
        %logistic3A_59 = arith.addf %logistic3A_58, %logistic3A_56 : vector<64x1024xf32>
        %logistic3A_60 = arith.divf %logistic3A_58, %logistic3A_59 : vector<64x1024xf32>
        %mul3A = arith.mulf %dot_general3A_53, %logistic3A_60 : vector<64x1024xf32>
        %mul3A_61 = arith.mulf %mul3A, %dot_general3A_55 : vector<64x1024xf32>
        %convert_element_type3A_62 = arith.truncf %mul3A_61 : vector<64x1024xf32> to vector<64x1024xbf16>
        %dot_general3A_63 = arith.constant dense<0.000000e+00> : vector<64x1024xf32>
        %dot_general3A_64 = tpu.matmul %convert_element_type3A_62, %convert_element_type3A_41, %dot_general3A_63 {dimension_numbers = #tpu.dot_dimension_numbers<[1], [1], [0], [0], [0, 0, 1, 0], [], []>, transpose_lhs_hint = false} : vector<64x1024xbf16>, vector<1024x1024xbf16>, vector<64x1024xf32> -> vector<64x1024xf32>
        %swap3A = arith.constant 0 : index
        %swap3A_65 = arith.constant 0 : index
        %swap3A_66 = vector.load %arg6[%swap3A, %swap3A_65] : memref<512x1024xf32, #tpu.memory_space<vmem>>, vector<64x1024xf32>
        tpu.vector_store %arg6[%swap3A, %swap3A_65], %dot_general3A_64 {strides = array<i32>} : memref<512x1024xf32, #tpu.memory_space<vmem>>, vector<64x1024xf32>,
      }
    } else {
    }
    return
  }
  func.func @transform_0(%arg0: i32, %arg1: memref<1x16xi32, #tpu.memory_space<smem>>) -> (i32, i32) {
    %c0_i32 = arith.constant 0 : i32
    %c0_i32_0 = arith.constant 0 : i32
    return %arg0, %c0_i32 : i32, i32
  }
  func.func @transform_1(%arg0: i32, %arg1: memref<1x16xi32, #tpu.memory_space<smem>>) -> (i32, i32, i32) {
    %c0_i32 = arith.constant 0 : i32
    %c0_i32_0 = arith.constant 0 : i32
    %c0_i32_1 = arith.constant 0 : i32
    return %arg0, %c0_i32, %c0_i32_0 : i32, i32, i32
  }
  func.func @transform_2(%arg0: i32, %arg1: memref<1x16xi32, #tpu.memory_space<smem>>) -> (i32, i32, i32) {
    %c0_i32 = arith.constant 0 : i32
    %c0_i32_0 = arith.constant 0 : i32
    %c0_i32_1 = arith.constant 0 : i32
    return %arg0, %c0_i32, %c0_i32_0 : i32, i32, i32
  }
  func.func @transform_3(%arg0: i32, %arg1: memref<1x16xi32, #tpu.memory_space<smem>>) -> (i32, i32, i32) {
    %c0_i32 = arith.constant 0 : i32
    %c0_i32_0 = arith.constant 0 : i32
    %c0_i32_1 = arith.constant 0 : i32
    return %arg0, %c0_i32, %c0_i32_0 : i32, i32, i32
  }
  func.func @transform_4(%arg0: i32, %arg1: memref<1x16xi32, #tpu.memory_space<smem>>) -> (i32, i32) {
    %c0_i32 = arith.constant 0 : i32
    %c0_i32_0 = arith.constant 0 : i32
    return %arg0, %c0_i32 : i32, i32
  }
}

module attributes {stable_mosaic.version = 14 : i64} {
  func.func @_combine_body(%arg0: i32, %arg1: memref<512x1024xf32, #tpu.memory_space<vmem>>, %arg2: memref<512x1024xf32, #tpu.memory_space<vmem>>, %arg3: memref<512x1024xf32, #tpu.memory_space<vmem>>, %arg4: memref<512x2xf32, #tpu.memory_space<vmem>>, %arg5: memref<512x1024xf32, #tpu.memory_space<vmem>>) attributes {dimension_semantics = [#tpu.dimension_semantics<arbitrary>], iteration_bounds = array<i64: 4>, scalar_prefetch = 0 : i64, scratch_operands = 0 : i64, tpu.core_type = #tpu.core_type<tc>, window_params = [{transform_indices = @transform_0, window_bounds = array<i64: 512, 1024>}, {transform_indices = @transform_1, window_bounds = array<i64: 512, 1024>}, {transform_indices = @transform_2, window_bounds = array<i64: 512, 1024>}, {transform_indices = @transform_3, window_bounds = array<i64: 512, 2>}, {transform_indices = @transform_4, window_bounds = array<i64: 512, 1024>}]} {
    %get3A = arith.constant 0 : index
    %get3A_0 = arith.constant 0 : index
    %get3A_1 = vector.load %arg4[%get3A, %get3A_0] : memref<512x2xf32, #tpu.memory_space<vmem>>, vector<512x2xf32>
    %get3A_2 = arith.constant 0 : index
    %get3A_3 = arith.constant 0 : index
    %get3A_4 = vector.load %arg1[%get3A_2, %get3A_3] : memref<512x1024xf32, #tpu.memory_space<vmem>>, vector<512x1024xf32>
    %slice3A = vector.extract_strided_slice %get3A_1 {offsets = [0, 0], sizes = [512, 1], strides = [1, 1]} : vector<512x2xf32> to vector<512x1xf32>
    %get3A_5 = arith.constant 0 : index
    %get3A_6 = arith.constant 0 : index
    %get3A_7 = vector.load %arg2[%get3A_5, %get3A_6] : memref<512x1024xf32, #tpu.memory_space<vmem>>, vector<512x1024xf32>
    %mul3A = vector.broadcast %slice3A : vector<512x1xf32> to vector<512x1024xf32>
    %mul3A_8 = arith.mulf %mul3A, %get3A_7 : vector<512x1024xf32>
    %add3A = arith.addf %get3A_4, %mul3A_8 : vector<512x1024xf32>
    %slice3A_9 = vector.extract_strided_slice %get3A_1 {offsets = [0, 1], sizes = [512, 1], strides = [1, 1]} : vector<512x2xf32> to vector<512x1xf32>
    %get3A_10 = arith.constant 0 : index
    %get3A_11 = arith.constant 0 : index
    %get3A_12 = vector.load %arg3[%get3A_10, %get3A_11] : memref<512x1024xf32, #tpu.memory_space<vmem>>, vector<512x1024xf32>
    %mul3A_13 = vector.broadcast %slice3A_9 : vector<512x1xf32> to vector<512x1024xf32>
    %mul3A_14 = arith.mulf %mul3A_13, %get3A_12 : vector<512x1024xf32>
    %add3A_15 = arith.addf %add3A, %mul3A_14 : vector<512x1024xf32>
    %swap3A = arith.constant 0 : index
    %swap3A_16 = arith.constant 0 : index
    %swap3A_17 = vector.load %arg5[%swap3A, %swap3A_16] : memref<512x1024xf32, #tpu.memory_space<vmem>>, vector<512x1024xf32>
    tpu.vector_store %arg5[%swap3A, %swap3A_16], %add3A_15 {strides = array<i32>} : memref<512x1024xf32, #tpu.memory_space<vmem>>, vector<512x1024xf32>,
    return
  }
  func.func @transform_0(%arg0: i32) -> (i32, i32) {
    %c0_i32 = arith.constant 0 : i32
    %c0_i32_0 = arith.constant 0 : i32
    return %arg0, %c0_i32 : i32, i32
  }
  func.func @transform_1(%arg0: i32) -> (i32, i32) {
    %c0_i32 = arith.constant 0 : i32
    %c0_i32_0 = arith.constant 0 : i32
    return %arg0, %c0_i32 : i32, i32
  }
  func.func @transform_2(%arg0: i32) -> (i32, i32) {
    %c0_i32 = arith.constant 0 : i32
    %c0_i32_0 = arith.constant 0 : i32
    return %arg0, %c0_i32 : i32, i32
  }
  func.func @transform_3(%arg0: i32) -> (i32, i32) {
    %c0_i32 = arith.constant 0 : i32
    %c0_i32_0 = arith.constant 0 : i32
    return %arg0, %c0_i32 : i32, i32
  }
  func.func @transform_4(%arg0: i32) -> (i32, i32) {
    %c0_i32 = arith.constant 0 : i32
    %c0_i32_0 = arith.constant 0 : i32
    return %arg0, %c0_i32 : i32, i32
  }
}

</mosaic_0001>

<sc_bundles>
// kernel: kernel.11.cloned.1.call-start
scs
__scs_entry_jumppad:
0x0: {  	(pc) =	sbr.rel $0x88, $3  }
0x1: {  	(tag) =	ssettag $0x0;
	lr =	simm.s32 $0x1  }
0x2: {  	[smem:$0x3F99] =	sst lr;
	_ =	strace $0xD0000000  }
0x3: {  	_ = 	snop  }
0x4: {  	_ = 	snop  }
0x5: {  	_ = 	snop  }
0x6: {  	_ = 	snop  }
0x7: {  	_ = 	snop  }
__scs_overlays_trampoline_lowered:
0x8: {  	[smem:$0x3FA8] =	sst s0  }
0x9: {  	[smem:$0x3FA9] =	sst s1  }
0xa: {  	[smem:$0x3FAA] =	sst s2  }
0xb: {  	[smem:$0x3FAB] =	sst s3  }
0xc: {  	[smem:$0x3FAC] =	sst s4  }
0xd: {  	[smem:$0x3FAD] =	sst s5  }
0xe: {  	[smem:$0x3FAE] =	sst s6  }
0xf: {  	[smem:$0x3FAF] =	sst s7  }
0x10: {  	[smem:$0x3FB0] =	sst s8  }
0x11: {  	[smem:$0x3FB1] =	sst s9;
	s0 =	simm.s32 @!p0 $0x0  }
0x12: {  	s1 =	sld [smem:$0x3F97];
	s0 =	simm.s32 @p0 $0x1  }
0x13: {  	[smem:$0x3FB2] =	sst s0;
	s0 =	simm.s32 @!p1 $0x0  }
0x14: {  	s2 =	sld [smem:$0x3F96];
	s0 =	simm.s32 @p1 $0x1  }
0x15: {  	[smem:$0x3FB3] =	sst s0;
	s0 =	simm.s32 @!p2 $0x0  }
0x16: {  	s3 =	sld [smem:$0x3FDB];
	s0 =	simm.s32 @p2 $0x1  }
0x17: {  	s4 =	simm.s32 $0x1BF5;
	[smem:$0x3FB5] =	sst s0  }
0x18: {  	s0 =	sld [smem:$0x3F98];
	_ =	swait.ge [sflag:s4], $0x0  }
0x19: {  	s7 =	sld [smem:$0x3F99]  }
0x1a: {  	s8 =	sadd.s32 $0xFFFFE003, lr  }
0x1b: {  	s9 =	sadd.s32 $0xFFFFFEF7, lr;
	s5 =	simm.s32 $0xFFFFFFFF;
	p2 =	slt.u32 s8, $0xFFFFF086  }
0x1c: {  	p1 =	slt.u32 s9, $0xF7A;
	s5 =	simm.s32 @!p2 $0x0  }
0x1d: {  	s5 =	simm.s32 @p1 $0x1;
	p0 =	seq.s32 s7, s2  }
0x1e: {  	s7 =	smul.u32 @!p0 $0xF7A, s2;
	p2 =	seq.s32 @!p0 s5, $0x0  }
0x1f: {  	s9 =	smul.u32 $0xF7A, s1;
	s8 =	simm.s32 @!p0 $0x1BF5;
	p2 =	por !p2, p0  }
0x20: {  	[sflag:s8] =	ssyncset.s32 @!p0 $0xFFFFF086;
	s6 =	sadd.s32 @!p0 s3, s7;
	s7 =	simm.s32 @!p0 $0x108  }
0x21: {  	s3 =	sadd.s32 s3, s9;
	s6 =	sadd.s32 @!p0 $0x88, s6;
	s7 =	simm.s32 @p2 $0x1082  }
0x22: {  	[simem:s7], [sflag:s8] =	dma.local @!p0 [hbm:s6], $0xF7A  }
0x23: {  	s9 =	sor.u32 $0xD0000000, s2;
	s6 =	simm.s32 $0x108;
	_ =	swait.ge @!p0 [sflag:s8], $0x0  }
0x24: {  	s3 =	sadd.s32 $0x88, s3;
	s6 =	simm.s32 @!p1 $0x1082;
	[sflag:s4] =	ssyncset.s32 $0xFFFFF086  }
0x25: {  	[simem:s6], [sflag:s4] =	dma.local [hbm:s3], $0xF7A  }
0x26: {  	[smem:$0x3F99] =	sst s1;
	(tag) =	ssettag s2;
	_ =	strace s9  }
0x27: {  	s1 =	sld [smem:$0x3FA9]  }
0x28: {  	s2 =	sld [smem:$0x3FAA]  }
0x29: {  	s4 =	sld [smem:$0x3FAC]  }
0x2a: {  	p0 =	seq.s32 s5, $0x0;
	s5 =	sld [smem:$0x3FAD]  }
0x2b: {  	s6 =	sld [smem:$0x3FAE]  }
0x2c: {  	s7 =	sld [smem:$0x3FAF]  }
0x2d: {  	s3 =	simm.s32 $0x108;
	s8 =	sld [smem:$0x3FB0]  }
0x2e: {  	s3 =	simm.s32 @!p0 $0x1082;
	s9 =	sld [smem:$0x3FB1]  }
0x2f: {  	lr =	sadd.s32 s0, s3;
	s0 =	sld [smem:$0x3FA8]  }
0x30: {  	s3 =	sld [smem:$0x3FAB]  }
0x31: {  	[smem:$0x3FB4] =	sst s10  }
0x32: {  	s10 =	sld [smem:$0x3FB2];
	_ =	sdelay $0x3  }
0x33: {  	p0 =	seq.s32 s10, $0x1;
	s10 =	sld [smem:$0x3FB4];
	_ =	sdelay $0x3  }
0x34: {  	[smem:$0x3FB4] =	sst s10  }
0x35: {  	s10 =	sld [smem:$0x3FB3];
	_ =	sdelay $0x3  }
0x36: {  	p1 =	seq.s32 s10, $0x1;
	s10 =	sld [smem:$0x3FB4];
	_ =	sdelay $0x3  }
0x37: {  	[smem:$0x3FB4] =	sst s10  }
0x38: {  	s10 =	sld [smem:$0x3FB5]  }
0x39: {  	_ = 	snop;
	(pc) =	sbr.ind lr, $3  }
0x3a: {  	_ = 	snop  }
0x3b: {  	_ = 	snop  }
0x3c: {  	p2 =	seq.s32 s10, $0x1;
	s10 =	sld [smem:$0x3FB4]  }
0x3d: {  	_ =	shalt  }
0x3e: {  	_ =	shalt  }
0x3f: {  	_ =	shalt  }
0x40: {  	_ =	shalt  }
0x41: {  	_ =	shalt  }
0x42: {  	_ =	shalt  }
0x43: {  	_ =	shalt  }
0x44: {  	_ =	shalt  }
0x45: {  	_ =	shalt  }
0x46: {  	_ =	shalt  }
0x47: {  	_ =	shalt  }
0x48: {  	_ =	shalt  }
0x49: {  	_ =	shalt  }
0x4a: {  	_ =	shalt  }
0x4b: {  	_ =	shalt  }
0x4c: {  	_ =	shalt  }
0x4d: {  	_ =	shalt  }
0x4e: {  	_ =	shalt  }
0x4f: {  	_ =	shalt  }
0x50: {  	_ =	shalt  }
0x51: {  	_ =	shalt  }
0x52: {  	_ =	shalt  }
0x53: {  	_ =	shalt  }
0x54: {  	_ =	shalt  }
0x55: {  	_ =	shalt  }
0x56: {  	_ =	shalt  }
0x57: {  	_ =	shalt  }
0x58: {  	_ =	shalt  }
0x59: {  	_ =	shalt  }
0x5a: {  	_ =	shalt  }
0x5b: {  	_ =	shalt  }
0x5c: {  	_ =	shalt  }
0x5d: {  	_ =	shalt  }
0x5e: {  	_ =	shalt  }
0x5f: {  	_ =	shalt  }
0x60: {  	_ =	shalt  }
0x61: {  	_ =	shalt  }
0x62: {  	_ =	shalt  }
0x63: {  	_ =	shalt  }
0x64: {  	_ =	shalt  }
0x65: {  	_ =	shalt  }
0x66: {  	_ =	shalt  }
0x67: {  	_ =	shalt  }
0x68: {  	_ =	shalt  }
0x69: {  	_ =	shalt  }
0x6a: {  	_ =	shalt  }
0x6b: {  	_ =	shalt  }
0x6c: {  	_ =	shalt  }
0x6d: {  	_ =	shalt  }
0x6e: {  	_ =	shalt  }
0x6f: {  	_ =	shalt  }
0x70: {  	_ =	shalt  }
0x71: {  	_ =	shalt  }
0x72: {  	_ =	shalt  }
0x73: {  	_ =	shalt  }
0x74: {  	_ =	shalt  }
0x75: {  	_ =	shalt  }
0x76: {  	_ =	shalt  }
0x77: {  	_ =	shalt  }
0x78: {  	_ =	shalt  }
0x79: {  	_ =	shalt  }
0x7a: {  	_ =	shalt  }
0x7b: {  	_ =	shalt  }
0x7c: {  	_ =	shalt  }
0x7d: {  	_ =	shalt  }
0x7e: {  	_ =	shalt  }
0x7f: {  	_ =	shalt  }
0x80: {  	_ =	shalt  }
0x81: {  	_ =	shalt  }
0x82: {  	_ =	shalt  }
0x83: {  	_ =	shalt  }
0x84: {  	_ =	shalt  }
0x85: {  	_ =	shalt  }
0x86: {  	_ =	shalt  }
0x87: {  	_ =	shalt  }
.Lfunc_end0:
.L_simem_size_0:
called_computation.1_lowered:
.L_overlay_start_0:
0x88: {  	s2 =	sld [smem:$0x3FD9]  }
0x89: {  	s3 =	sld [smem:$0x3FFE];
	_ =	sdelay $0x1  }
0x8a: {  	s1 =	srdreg.scid  }
0x8b: {  	s0 =	sand.u32 $0x1, s1  }
0x8c: {  	s16 =	sshll.u32 s0, $0xA;
	s2 =	sadd.s32 s3, s2  }
0x8d: {  	s2 =	sadd.s32 s2, s16  }
0x8e: {  	[smem:$0x3FC0] =	sst s2  }
0x8f: {  	_ = 	snop  }
0x90: {  	(tm) =	ssettm $0x1  }
0x91: {  	s17 =	sld [smem:$0x3FFB];
	_ =	sdelay $0x3  }
0x92: {  	_ =	strace s17  }
0x93: {  	s2 =	sld [smem:$0x3FFC];
	_ =	sdelay $0x3  }
0x94: {  	_ =	strace s2  }
0x95: {  	s2 =	sld [smem:$0x3FFD];
	_ =	sdelay $0x3  }
0x96: {  	_ =	strace s2  }
0x97: {  	_ =	strace $0x8FFFFFFF  }
0x98: {  	s18 =	sld [smem:$0x3FDB];
	_ =	sdelay $0x1  }
0x99: {  	s19 =	simm.s32 $_scs_section_size  }
0x9a: {  	s4 =	simm.s32 $_size__tile_overlayer_lowered;
	s5 =	simm.s32 $_tile_overlayer_lowered  }
0x9b: {  	s22 =	simm.s32 $0x1BFF;
	s21 =	sshll.u32 s5, $0x1;
	s2 =	sadd.s32 s19, s18  }
0x9c: {  	s6 =	simm.s32 $0x0;
	s20 =	sshll.u32 s4, $0x1;
	s4 =	sadd.s32 s21, s2  }
0x9d: {  	[timem:s6], [sflag:s22] =	dma.local [hbm:s4], s20  }
0x9e: {  	_ =	swait.ge [sflag:s22], s20  }
0x9f: {  	s3 =	ssub.s32 $0x0, s20;
	[sflag:s22] =	ssyncset.done $0x0  }
0xa0: {  	[sflag:s22] =	ssyncadd.s32 s3;
	_ =	sdelay $0x1  }
0xa1: {  	s23 =	simm.s32 $0x1B8B  }
0xa2: {  	_ =	swait.ge [sflag:s23], $0x1  }
0xa3: {  	[sflag:s23] =	ssyncset.done $0x0  }
0xa4: {  	s25 =	simm.s32 $0x1B8E;
	s24 =	sld [smem:$0x3FFE];
	[sflag:s23] =	ssyncadd.s32 $0xFFFFFFFF  }
0xa5: {  	s26 =	simm.s32 $execute0_lowered;
	[smem:$0x3FD2] =	sst s25  }
0xa6: {  	s4 =	sshll.u32 s26, $0x1;
	_ =	strace $0x80000049;
	[dreg:$0x1] =	wrdreg $0xFFFFFFFF  }
0xa7: {  	s28 =	simm.s32 $_size_execute0_lowered;
	s2 =	sadd.s32 s2, s4;
	[dreg:$0x0] =	wrdreg $0x0  }
0xa8: {  	s4 =	sshll.u32 s28, $0x1;
	[dreg:$0x2] =	wrdreg s2  }
0xa9: {  	[dreg:$0x3] =	wrdreg s4  }
0xaa: {  	[dreg:$0x4] =	wrdreg $0xC0  }
0xab: {  	_ =	task [dreg:s6], $0x5FFFF  }
0xac: {  	[dreg:$0x1] =	wrdreg $0xFFFFFFFF  }
0xad: {  	[dreg:$0x0] =	wrdreg $0x60  }
0xae: {  	[dreg:$0x2] =	wrdreg s24  }
0xaf: {  	[dreg:$0x3] =	wrdreg $0x9  }
0xb0: {  	_ =	task.clear_ibuf [dreg:s6], $0x4FFFF;
	_ =	strace $0x90000049  }
0xb1: {  	s29 =	simm.s32 $0x9;
	_ =	strace $0x8000004B  }
0xb2: {  	_ =	swait.ge [sflag:s29], $0x1  }
0xb3: {  	[sflag:s29] =	ssyncadd.s32 $0xFFFFFFFF  }
0xb4: {  	_ =	strace $0x9000004B  }
0xb5: {  	_ =	sfence  }
0xb6: {  	s30 =	sld [smem:$0x0];
	_ =	sdelay $0x2  }
0xb7: {  	s31 =	sshll.u32 s1, $0xD;
	s1 =	sshrl.u32 s1, $0x2  }
0xb8: {  	s3 =	sand.u32 $0x4000, s31;
	s1 =	sadd.s32 s1, s30  }
0xb9: {  	s0 =	sor.u32 s3, s0;
	s1 =	sshll.u32 s1, $0x11  }
0xba: {  	s0 =	sor.u32 s1, s0  }
0xbb: {  	s0 =	sadd.s32 $0x8F2B, s0  }
0xbc: {  	[sflag:s0] =	ssyncadd.remote.s32 $0x1  }
0xbd: {  	_ =	sfence.sel $0xFFFF  }
0xbe: {  	[dreg:$0x0] =	wrdreg $0xFFFFFFFF;
	(pc) =	sbr.abs _section_cstart, $3  }
0xbf: {  	[dreg:$0x1] =	wrdreg $0xFFFFFFFF  }
0xc0: {  	_ =	task.clear_ibuf [dreg:s6], $0x2FFFF;
	_ =	strace $0x9FFFFFFF  }
0xc1: {  	(tm) =	ssettm $0x7FFFFFFF  }
tec
execute0_lowered:
.L_overlay_start_1:
0x0: {  	(tag) =	ssettag $0x1  }
0x1: {  	s0 =	rddreg [dreg:$0x0];
	s2 =	simm.s32 $0x0  }
0x2: {  	s1 =	srdreg.scid;
	s3 =	stileid.u32;
	s24 =	simm.s32 $0x80  }
0x3: {  	s25 =	simm.s32 $0x100;
	s26 =	simm.s32 $0x180;
	s28 =	simm.s32 $0x3200  }
0x4: {  	s29 =	simm.s32 $0x3A00;
	s30 =	simm.s32 $0x4200;
	s31 =	simm.s32 $0x4A00  }
0x5: {  	s13 =	simm.s32 $0x7A00;
	s14 =	simm.s32 $0x8A00;
	s15 =	simm.s32 $0x9200  }
0x6: {  	s16 =	simm.s32 $0x9A00;
	[smem:$0x7FF] =	sst s2;
	s1 =	sand.u32 $0x1, s1  }
0x7: {  	s4 =	sshll.u32 s3, $0x7;
	s3 =	sadd.s32 $0x114A00, s0;
	s6 =	sadd.s32 $0x10800, s0  }
0x8: {  	s17 =	sadd.s32 $0x10600, s0;
	_ =	strace $0x8000004A;
	[dreg:$0xa] =	wrdreg s24  }
0x9: {  	s9 =	sadd.s32 $0x10A00, s0;
	s12 =	sadd.s32 $0x50A00, s0;
	[dreg:$0xb] =	wrdreg s25  }
0xa: {  	s5 =	sshll.u32 s1, $0x6;
	s1 =	ssub.s32 $0x2, s1;
	[dreg:$0xc] =	wrdreg s26  }
0xb: {  	s25 =	simm.s32 $0x200;
	s24 =	simm.s32 $0x2200;
	s4 =	sor.u32 s5, s4  }
0xc: {  	s26 =	simm.s32 $0x2A00;
	s19 =	sshrl.u32 s1, $0x1;
	s7 =	sshrl.u32 s4, $0x3  }
0xd: {  	s8 =	sor.u32 $0x20, s4;
	s4 =	sshll.u32 s4, $0x7;
	s1 =	ssub.s32 s1, s19  }
0xe: {  	s19 =	simm.s32 $0x2;
	s10 =	sadd.s32 s6, s7;
	s11 =	sshrl.u32 s8, $0x3  }
0xf: {  	s18 =	sadd.s32 s17, s7;
	s20 =	sadd.s32 s9, s4;
	[dreg:$0x2] =	wrdreg s10  }
0x10: {  	s4 =	sadd.s32 s12, s4;
	s21 =	sshll.u32 s8, $0x7;
	[dreg:$0x4] =	wrdreg s18  }
0x11: {  	s7 =	smax.u32 s1, $0x1;
	s8 =	simm.s32 $0x3;
	[dreg:$0x6] =	wrdreg s20  }
0x12: {  	s6 =	sadd.s32 s6, s11;
	s5 =	sadd.s32 s17, s11;
	[dreg:$0x7] =	wrdreg s4  }
0x13: {  	s22 =	sadd.s32 s9, s21;
	s4 =	sadd.s32 $0x114B00, s0;
	s23 =	sadd.s32 s12, s21  }
0x14: {  	s18 =	simm.s32 $0x1;
	s9 =	simm.s32 $0x5200;
	[dreg:$0x3] =	wrdreg s6  }
0x15: {  	s10 =	simm.s32 $0x6200;
	s11 =	simm.s32 $0x6A00;
	[dreg:$0x5] =	wrdreg s5  }
0x16: {  	v2 =	vlaneseq.u32;
	s12 =	simm.s32 $0x7200;
	s17 =	simm.s32 $0xA200;
	[dreg:$0x8] =	wrdreg s22  }
0x17: {  	vm0 =	vmmov $0xffff;
	v1 =	vshrl.u32 v2, $0x3;
	s5 =	sadd.s32 $0x114C00, s0;
	[dreg:$0x9] =	wrdreg s23;
	s6 =	sadd.s32 $0x114D00, s0  }
0x18: {  	v0 =	vand.u32 $0x7, v2;
	v2 =	vor.u32 $0x8, v2;
	v1 =	vmul.u32 $0x8, v1;
	s22 =	simm.s32 $0x1200;
	s23 =	simm.s32 $0x1A00;
	s0 =	simm.s32 $0x8200  }
.LBB2_1:
0x19: {  	s20 =	rddreg [dreg:$0x2]  }
0x1a: {  	[tilespmem:s2], [sflag:$0x3] =	stream.linear.gather [hbm4b:s20+s2], $0x20, $0x38;
	[tilespmem:$0x10200] =	vst v63  }
0x1b: {  	_ =	swait.ge [sflag:s8], $0x20  }
0x1c: {  	s1 =	rddreg [dreg:$0x3];
	[sflag:s8] =	ssyncset.done $0x0  }
0x1d: {  	s21 =	rddreg [dreg:$0xa];
	[sflag:s8] =	ssyncadd.s32 $0xFFFFFFE0  }
0x1e: {  	[tilespmem:s21], [sflag:$0x3] =	stream.linear.gather [hbm4b:s1+s2], $0x20, $0x38;
	[tilespmem:$0x10200] =	vst v63  }
0x1f: {  	_ =	swait.ge [sflag:s8], $0x20  }
0x20: {  	s21 =	rddreg [dreg:$0x4];
	[sflag:s8] =	ssyncset.done $0x0  }
0x21: {  	s1 =	rddreg [dreg:$0xb];
	[sflag:s8] =	ssyncadd.s32 $0xFFFFFFE0  }
0x22: {  	[tilespmem:s1], [sflag:$0x3] =	stream.linear.gather [hbm4b:s21+s2], $0x20, $0x38;
	[tilespmem:$0x10200] =	vst v63  }
0x23: {  	_ =	swait.ge [sflag:s8], $0x20  }
0x24: {  	s21 =	rddreg [dreg:$0x5];
	[sflag:s8] =	ssyncset.done $0x0  }
0x25: {  	s1 =	rddreg [dreg:$0xc];
	[sflag:s8] =	ssyncadd.s32 $0xFFFFFFE0  }
0x26: {  	[tilespmem:s1], [sflag:$0x3] =	stream.linear.gather [hbm4b:s21+s2], $0x20, $0x38;
	[tilespmem:$0x10200] =	vst v63  }
0x27: {  	_ =	swait.ge [sflag:s8], $0x20  }
0x28: {  	[sflag:s8] =	ssyncset.done $0x0  }
0x29: {  	[sflag:s8] =	ssyncadd.s32 $0xFFFFFFE0  }
0x2a: {  	v3 =	vld [tilespmem:$0x0];
	_ =	sdelay $0x4  }
0x2b: {  	v4 =	vshll.u32 v3, $0x3  }
0x2c: {  	v3 =	vand.u32 $0x7, v3;
	v4 =	vand.u32 $0xFFFFFFC0, v4  }
0x2d: {  	v3 =	vor.u32 v3, v4  }
0x2e: {  	v4 =	vperm.xlane v3, v0;
	_ =	sdelay $0x1  }
0x2f: {  	v4 =	vadd.s32 v1, v4;
	_ =	sdelay $0x4  }
0x30: {  	[tilespmem:s25], [sflag:$0x1] =	stream.indirect_vreg.gather [hbm4b:s3+s2], $0x80, v4, vm0, $0xb8;
	[tilespmem:$0x10200] =	vst v63  }
0x31: {  	s21 =	simm.s32 $0xA00;
	v3 =	vperm.xlane v3, v2  }
0x32: {  	[tilespmem:s21], [sflag:$0x1] =	stream.indirect_vreg.gather [hbm4b:s4+s2], $0x80, v4, vm0, $0xb8;
	[tilespmem:$0x10200] =	vst v63  }
0x33: {  	v3 =	vadd.s32 v1, v3  }
0x34: {  	[tilespmem:s22], [sflag:$0x1] =	stream.indirect_vreg.gather [hbm4b:s5+s2], $0x80, v4, vm0, $0xb8;
	[tilespmem:$0x10200] =	vst v63  }
0x35: {  	_ = 	snop  }
0x36: {  	[tilespmem:s23], [sflag:$0x1] =	stream.indirect_vreg.gather [hbm4b:s6+s2], $0x80, v4, vm0, $0xb8;
	[tilespmem:$0x10200] =	vst v63  }
0x37: {  	_ = 	snop  }
0x38: {  	[tilespmem:s24], [sflag:$0x1] =	stream.indirect_vreg.gather [hbm4b:s3+s2], $0x80, v3, vm0, $0xb8;
	[tilespmem:$0x10200] =	vst v63  }
0x39: {  	_ = 	snop  }
0x3a: {  	[tilespmem:s26], [sflag:$0x1] =	stream.indirect_vreg.gather [hbm4b:s4+s2], $0x80, v3, vm0, $0xb8;
	[tilespmem:$0x10200] =	vst v63  }
0x3b: {  	_ = 	snop  }
0x3c: {  	[tilespmem:s28], [sflag:$0x1] =	stream.indirect_vreg.gather [hbm4b:s5+s2], $0x80, v3, vm0, $0xb8;
	[tilespmem:$0x10200] =	vst v63  }
0x3d: {  	_ = 	snop  }
0x3e: {  	[tilespmem:s29], [sflag:$0x1] =	stream.indirect_vreg.gather [hbm4b:s6+s2], $0x80, v3, vm0, $0xb8;
	[tilespmem:$0x10200] =	vst v63  }
0x3f: {  	v3 =	vld [tilespmem:$0x10];
	_ =	sdelay $0x4  }
0x40: {  	v57 =	vshll.u32 v3, $0x3  }
0x41: {  	v3 =	vand.u32 $0x7, v3;
	v4 =	vand.u32 $0xFFFFFFC0, v57  }
0x42: {  	v3 =	vor.u32 v3, v4  }
0x43: {  	v4 =	vperm.xlane v3, v0;
	_ =	sdelay $0x1  }
0x44: {  	v4 =	vadd.s32 v1, v4;
	_ =	sdelay $0x4  }
0x45: {  	[tilespmem:s30], [sflag:$0x1] =	stream.indirect_vreg.gather [hbm4b:s3+s2], $0x80, v4, vm0, $0xb8;
	[tilespmem:$0x10200] =	vst v63  }
0x46: {  	v3 =	vperm.xlane v3, v2  }
0x47: {  	[tilespmem:s31], [sflag:$0x1] =	stream.indirect_vreg.gather [hbm4b:s4+s2], $0x80, v4, vm0, $0xb8;
	[tilespmem:$0x10200] =	vst v63  }
0x48: {  	v3 =	vadd.s32 v1, v3  }
0x49: {  	[tilespmem:s9], [sflag:$0x1] =	stream.indirect_vreg.gather [hbm4b:s5+s2], $0x80, v4, vm0, $0xb8;
	[tilespmem:$0x10200] =	vst v63  }
0x4a: {  	s1 =	simm.s32 $0x5A00  }
0x4b: {  	[tilespmem:s1], [sflag:$0x1] =	stream.indirect_vreg.gather [hbm4b:s6+s2], $0x80, v4, vm0, $0xb8;
	[tilespmem:$0x10200] =	vst v63  }
0x4c: {  	_ = 	snop  }
0x4d: {  	[tilespmem:s10], [sflag:$0x1] =	stream.indirect_vreg.gather [hbm4b:s3+s2], $0x80, v3, vm0, $0xb8;
	[tilespmem:$0x10200] =	vst v63  }
0x4e: {  	_ = 	snop  }
0x4f: {  	[tilespmem:s11], [sflag:$0x1] =	stream.indirect_vreg.gather [hbm4b:s4+s2], $0x80, v3, vm0, $0xb8;
	[tilespmem:$0x10200] =	vst v63  }
0x50: {  	_ = 	snop  }
0x51: {  	[tilespmem:s12], [sflag:$0x1] =	stream.indirect_vreg.gather [hbm4b:s5+s2], $0x80, v3, vm0, $0xb8;
	[tilespmem:$0x10200] =	vst v63  }
0x52: {  	_ = 	snop  }
0x53: {  	[tilespmem:s13], [sflag:$0x1] =	stream.indirect_vreg.gather [hbm4b:s6+s2], $0x80, v3, vm0, $0xb8;
	[tilespmem:$0x10200] =	vst v63  }
0x54: {  	v3 =	vld [tilespmem:$0x100];
	_ =	sdelay $0x4  }
0x55: {  	v58 =	vshll.u32 v3, $0x3  }
0x56: {  	v3 =	vand.u32 $0x7, v3;
	v4 =	vand.u32 $0xFFFFFFC0, v58  }
0x57: {  	v3 =	vor.u32 v3, v4  }
0x58: {  	v4 =	vperm.xlane v3, v0;
	_ =	sdelay $0x1  }
0x59: {  	v4 =	vadd.s32 v1, v4;
	_ =	sdelay $0x4  }
0x5a: {  	[tilespmem:s0], [sflag:$0x1] =	stream.indirect_vreg.gather [hbm4b:s3+s2], $0x80, v4, vm0, $0xb8;
	[tilespmem:$0x10200] =	vst v63  }
0x5b: {  	v3 =	vperm.xlane v3, v2  }
0x5c: {  	[tilespmem:s14], [sflag:$0x1] =	stream.indirect_vreg.gather [hbm4b:s4+s2], $0x80, v4, vm0, $0xb8;
	[tilespmem:$0x10200] =	vst v63  }
0x5d: {  	v3 =	vadd.s32 v1, v3  }
0x5e: {  	[tilespmem:s15], [sflag:$0x1] =	stream.indirect_vreg.gather [hbm4b:s5+s2], $0x80, v4, vm0, $0xb8;
	[tilespmem:$0x10200] =	vst v63  }
0x5f: {  	_ = 	snop  }
0x60: {  	[tilespmem:s16], [sflag:$0x1] =	stream.indirect_vreg.gather [hbm4b:s6+s2], $0x80, v4, vm0, $0xb8;
	[tilespmem:$0x10200] =	vst v63  }
0x61: {  	_ = 	snop  }
0x62: {  	[tilespmem:s17], [sflag:$0x1] =	stream.indirect_vreg.gather [hbm4b:s3+s2], $0x80, v3, vm0, $0xb8;
	[tilespmem:$0x10200] =	vst v63  }
0x63: {  	s20 =	simm.s32 $0xAA00  }
0x64: {  	[tilespmem:s20], [sflag:$0x1] =	stream.indirect_vreg.gather [hbm4b:s4+s2], $0x80, v3, vm0, $0xb8;
	[tilespmem:$0x10200] =	vst v63  }
0x65: {  	s20 =	simm.s32 $0xB200  }
0x66: {  	[tilespmem:s20], [sflag:$0x1] =	stream.indirect_vreg.gather [hbm4b:s5+s2], $0x80, v3, vm0, $0xb8;
	[tilespmem:$0x10200] =	vst v63  }
0x67: {  	s20 =	simm.s32 $0xBA00  }
0x68: {  	[tilespmem:s20], [sflag:$0x1] =	stream.indirect_vreg.gather [hbm4b:s6+s2], $0x80, v3, vm0, $0xb8;
	[tilespmem:$0x10200] =	vst v63  }
0x69: {  	v3 =	vld [tilespmem:$0x110];
	_ =	sdelay $0x4  }
0x6a: {  	v59 =	vshll.u32 v3, $0x3  }
0x6b: {  	v3 =	vand.u32 $0x7, v3;
	v4 =	vand.u32 $0xFFFFFFC0, v59  }
0x6c: {  	v3 =	vor.u32 v3, v4  }
0x6d: {  	v4 =	vperm.xlane v3, v0;
	_ =	sdelay $0x1  }
0x6e: {  	v4 =	vadd.s32 v1, v4;
	_ =	sdelay $0x3  }
0x6f: {  	s20 =	simm.s32 $0xC200  }
0x70: {  	[tilespmem:s20], [sflag:$0x1] =	stream.indirect_vreg.gather [hbm4b:s3+s2], $0x80, v4, vm0, $0xb8;
	[tilespmem:$0x10200] =	vst v63  }
0x71: {  	v3 =	vperm.xlane v3, v2;
	s20 =	simm.s32 $0xCA00  }
0x72: {  	[tilespmem:s20], [sflag:$0x1] =	stream.indirect_vreg.gather [hbm4b:s4+s2], $0x80, v4, vm0, $0xb8;
	[tilespmem:$0x10200] =	vst v63  }
0x73: {  	v3 =	vadd.s32 v1, v3;
	s20 =	simm.s32 $0xD200  }
0x74: {  	[tilespmem:s20], [sflag:$0x1] =	stream.indirect_vreg.gather [hbm4b:s5+s2], $0x80, v4, vm0, $0xb8;
	[tilespmem:$0x10200] =	vst v63  }
0x75: {  	s20 =	simm.s32 $0xDA00  }
0x76: {  	[tilespmem:s20], [sflag:$0x1] =	stream.indirect_vreg.gather [hbm4b:s6+s2], $0x80, v4, vm0, $0xb8;
	[tilespmem:$0x10200] =	vst v63  }
0x77: {  	s20 =	simm.s32 $0xE200  }
0x78: {  	[tilespmem:s20], [sflag:$0x1] =	stream.indirect_vreg.gather [hbm4b:s3+s2], $0x80, v3, vm0, $0xb8;
	[tilespmem:$0x10200] =	vst v63  }
0x79: {  	s20 =	simm.s32 $0xEA00  }
0x7a: {  	[tilespmem:s20], [sflag:$0x1] =	stream.indirect_vreg.gather [hbm4b:s4+s2], $0x80, v3, vm0, $0xb8;
	[tilespmem:$0x10200] =	vst v63  }
0x7b: {  	s20 =	simm.s32 $0xF200  }
0x7c: {  	[tilespmem:s20], [sflag:$0x1] =	stream.indirect_vreg.gather [hbm4b:s5+s2], $0x80, v3, vm0, $0xb8;
	[tilespmem:$0x10200] =	vst v63  }
0x7d: {  	s20 =	simm.s32 $0xFA00  }
0x7e: {  	[tilespmem:s20], [sflag:$0x1] =	stream.indirect_vreg.gather [hbm4b:s6+s2], $0x80, v3, vm0, $0xb8;
	[tilespmem:$0x10200] =	vst v63  }
0x7f: {  	_ =	swait.ge [sflag:s18], $0x8000  }
0x80: {  	[sflag:s18] =	ssyncset.done $0x0  }
0x81: {  	s20 =	rddreg [dreg:$0x6];
	[sflag:s18] =	ssyncadd.s32 $0xFFFF8000  }
0x82: {  	[hbm4b:s20+s2] =	stream.linear.scatter [tilespmem:s25], [sflag:$0x2], $0x8000, $0x38;
	[tilespmem:$0x10200] =	vst v63  }
0x83: {  	_ =	swait.ge [sflag:s18], $0x8000  }
0x84: {  	[sflag:s18] =	ssyncset.done $0x0  }
0x85: {  	s20 =	rddreg [dreg:$0x7];
	[sflag:s18] =	ssyncadd.s32 $0xFFFF8000  }
0x86: {  	[hbm4b:s20+s2] =	stream.linear.scatter [tilespmem:s0], [sflag:$0x2], $0x8000, $0x38;
	[tilespmem:$0x10200] =	vst v63  }
0x87: {  	_ =	swait.ge [sflag:s19], $0x8000  }
0x88: {  	[sflag:s19] =	ssyncset.done $0x0  }
0x89: {  	[sflag:s19] =	ssyncadd.s32 $0xFFFF8000  }
0x8a: {  	v3 =	vld [tilespmem:$0x80];
	_ =	sdelay $0x4  }
0x8b: {  	v60 =	vshll.u32 v3, $0x3  }
0x8c: {  	v3 =	vand.u32 $0x7, v3;
	v4 =	vand.u32 $0xFFFFFFC0, v60  }
0x8d: {  	v3 =	vor.u32 v3, v4  }
0x8e: {  	v4 =	vperm.xlane v3, v0;
	_ =	sdelay $0x1  }
0x8f: {  	v4 =	vadd.s32 v1, v4;
	_ =	sdelay $0x4  }
0x90: {  	[tilespmem:s25], [sflag:$0x1] =	stream.indirect_vreg.gather [hbm4b:s3+s2], $0x80, v4, vm0, $0xb8;
	[tilespmem:$0x10200] =	vst v63  }
0x91: {  	v3 =	vperm.xlane v3, v2  }
0x92: {  	[tilespmem:s21], [sflag:$0x1] =	stream.indirect_vreg.gather [hbm4b:s4+s2], $0x80, v4, vm0, $0xb8;
	[tilespmem:$0x10200] =	vst v63  }
0x93: {  	v3 =	vadd.s32 v1, v3  }
0x94: {  	[tilespmem:s22], [sflag:$0x1] =	stream.indirect_vreg.gather [hbm4b:s5+s2], $0x80, v4, vm0, $0xb8;
	[tilespmem:$0x10200] =	vst v63  }
0x95: {  	_ = 	snop  }
0x96: {  	[tilespmem:s23], [sflag:$0x1] =	stream.indirect_vreg.gather [hbm4b:s6+s2], $0x80, v4, vm0, $0xb8;
	[tilespmem:$0x10200] =	vst v63  }
0x97: {  	_ = 	snop  }
0x98: {  	[tilespmem:s24], [sflag:$0x1] =	stream.indirect_vreg.gather [hbm4b:s3+s2], $0x80, v3, vm0, $0xb8;
	[tilespmem:$0x10200] =	vst v63  }
0x99: {  	_ = 	snop  }
0x9a: {  	[tilespmem:s26], [sflag:$0x1] =	stream.indirect_vreg.gather [hbm4b:s4+s2], $0x80, v3, vm0, $0xb8;
	[tilespmem:$0x10200] =	vst v63  }
0x9b: {  	_ = 	snop  }
0x9c: {  	[tilespmem:s28], [sflag:$0x1] =	stream.indirect_vreg.gather [hbm4b:s5+s2], $0x80, v3, vm0, $0xb8;
	[tilespmem:$0x10200] =	vst v63  }
0x9d: {  	_ = 	snop  }
0x9e: {  	[tilespmem:s29], [sflag:$0x1] =	stream.indirect_vreg.gather [hbm4b:s6+s2], $0x80, v3, vm0, $0xb8;
	[tilespmem:$0x10200] =	vst v63  }
0x9f: {  	v3 =	vld [tilespmem:$0x90];
	_ =	sdelay $0x4  }
0xa0: {  	v61 =	vshll.u32 v3, $0x3  }
0xa1: {  	v3 =	vand.u32 $0x7, v3;
	v4 =	vand.u32 $0xFFFFFFC0, v61  }
0xa2: {  	v3 =	vor.u32 v3, v4  }
0xa3: {  	v4 =	vperm.xlane v3, v0;
	_ =	sdelay $0x1  }
0xa4: {  	v4 =	vadd.s32 v1, v4;
	_ =	sdelay $0x4  }
0xa5: {  	[tilespmem:s30], [sflag:$0x1] =	stream.indirect_vreg.gather [hbm4b:s3+s2], $0x80, v4, vm0, $0xb8;
	[tilespmem:$0x10200] =	vst v63  }
0xa6: {  	v3 =	vperm.xlane v3, v2  }
0xa7: {  	[tilespmem:s31], [sflag:$0x1] =	stream.indirect_vreg.gather [hbm4b:s4+s2], $0x80, v4, vm0, $0xb8;
	[tilespmem:$0x10200] =	vst v63  }
0xa8: {  	v3 =	vadd.s32 v1, v3  }
0xa9: {  	[tilespmem:s9], [sflag:$0x1] =	stream.indirect_vreg.gather [hbm4b:s5+s2], $0x80, v4, vm0, $0xb8;
	[tilespmem:$0x10200] =	vst v63  }
0xaa: {  	_ = 	snop  }
0xab: {  	[tilespmem:s1], [sflag:$0x1] =	stream.indirect_vreg.gather [hbm4b:s6+s2], $0x80, v4, vm0, $0xb8;
	[tilespmem:$0x10200] =	vst v63  }
0xac: {  	_ = 	snop  }
0xad: {  	[tilespmem:s10], [sflag:$0x1] =	stream.indirect_vreg.gather [hbm4b:s3+s2], $0x80, v3, vm0, $0xb8;
	[tilespmem:$0x10200] =	vst v63  }
0xae: {  	_ = 	snop  }
0xaf: {  	[tilespmem:s11], [sflag:$0x1] =	stream.indirect_vreg.gather [hbm4b:s4+s2], $0x80, v3, vm0, $0xb8;
	[tilespmem:$0x10200] =	vst v63  }
0xb0: {  	_ = 	snop  }
0xb1: {  	[tilespmem:s12], [sflag:$0x1] =	stream.indirect_vreg.gather [hbm4b:s5+s2], $0x80, v3, vm0, $0xb8;
	[tilespmem:$0x10200] =	vst v63  }
0xb2: {  	_ = 	snop  }
0xb3: {  	[tilespmem:s13], [sflag:$0x1] =	stream.indirect_vreg.gather [hbm4b:s6+s2], $0x80, v3, vm0, $0xb8;
	[tilespmem:$0x10200] =	vst v63  }
0xb4: {  	_ =	swait.ge [sflag:s19], $0x8000  }
0xb5: {  	[sflag:s19] =	ssyncset.done $0x0  }
0xb6: {  	[sflag:s19] =	ssyncadd.s32 $0xFFFF8000  }
0xb7: {  	v3 =	vld [tilespmem:$0x180];
	_ =	sdelay $0x4  }
0xb8: {  	v62 =	vshll.u32 v3, $0x3  }
0xb9: {  	v3 =	vand.u32 $0x7, v3;
	v4 =	vand.u32 $0xFFFFFFC0, v62  }
0xba: {  	v3 =	vor.u32 v3, v4  }
0xbb: {  	v4 =	vperm.xlane v3, v0;
	_ =	sdelay $0x1  }
0xbc: {  	v4 =	vadd.s32 v1, v4;
	_ =	sdelay $0x4  }
0xbd: {  	[tilespmem:s0], [sflag:$0x1] =	stream.indirect_vreg.gather [hbm4b:s3+s2], $0x80, v4, vm0, $0xb8;
	[tilespmem:$0x10200] =	vst v63  }
0xbe: {  	v3 =	vperm.xlane v3, v2  }
0xbf: {  	[tilespmem:s14], [sflag:$0x1] =	stream.indirect_vreg.gather [hbm4b:s4+s2], $0x80, v4, vm0, $0xb8;
	[tilespmem:$0x10200] =	vst v63  }
0xc0: {  	v3 =	vadd.s32 v1, v3  }
0xc1: {  	[tilespmem:s15], [sflag:$0x1] =	stream.indirect_vreg.gather [hbm4b:s5+s2], $0x80, v4, vm0, $0xb8;
	[tilespmem:$0x10200] =	vst v63  }
0xc2: {  	_ = 	snop  }
0xc3: {  	[tilespmem:s16], [sflag:$0x1] =	stream.indirect_vreg.gather [hbm4b:s6+s2], $0x80, v4, vm0, $0xb8;
	[tilespmem:$0x10200] =	vst v63  }
0xc4: {  	_ = 	snop  }
0xc5: {  	[tilespmem:s17], [sflag:$0x1] =	stream.indirect_vreg.gather [hbm4b:s3+s2], $0x80, v3, vm0, $0xb8;
	[tilespmem:$0x10200] =	vst v63  }
0xc6: {  	s21 =	simm.s32 $0xAA00  }
0xc7: {  	[tilespmem:s21], [sflag:$0x1] =	stream.indirect_vreg.gather [hbm4b:s4+s2], $0x80, v3, vm0, $0xb8;
	[tilespmem:$0x10200] =	vst v63  }
0xc8: {  	s20 =	simm.s32 $0xB200  }
0xc9: {  	[tilespmem:s20], [sflag:$0x1] =	stream.indirect_vreg.gather [hbm4b:s5+s2], $0x80, v3, vm0, $0xb8;
	[tilespmem:$0x10200] =	vst v63  }
0xca: {  	s21 =	simm.s32 $0xBA00  }
0xcb: {  	[tilespmem:s21], [sflag:$0x1] =	stream.indirect_vreg.gather [hbm4b:s6+s2], $0x80, v3, vm0, $0xb8;
	[tilespmem:$0x10200] =	vst v63  }
0xcc: {  	v3 =	vld [tilespmem:$0x190];
	_ =	sdelay $0x4  }
0xcd: {  	v63 =	vshll.u32 v3, $0x3  }
0xce: {  	v3 =	vand.u32 $0x7, v3;
	v4 =	vand.u32 $0xFFFFFFC0, v63  }
0xcf: {  	v3 =	vor.u32 v3, v4  }
0xd0: {  	v4 =	vperm.xlane v3, v0;
	_ =	sdelay $0x1  }
0xd1: {  	v4 =	vadd.s32 v1, v4;
	_ =	sdelay $0x3  }
0xd2: {  	s20 =	simm.s32 $0xC200  }
0xd3: {  	[tilespmem:s20], [sflag:$0x1] =	stream.indirect_vreg.gather [hbm4b:s3+s2], $0x80, v4, vm0, $0xb8;
	[tilespmem:$0x10200] =	vst v63  }
0xd4: {  	s21 =	simm.s32 $0xCA00;
	v3 =	vperm.xlane v3, v2  }
0xd5: {  	[tilespmem:s21], [sflag:$0x1] =	stream.indirect_vreg.gather [hbm4b:s4+s2], $0x80, v4, vm0, $0xb8;
	[tilespmem:$0x10200] =	vst v63  }
0xd6: {  	v3 =	vadd.s32 v1, v3;
	s20 =	simm.s32 $0xD200  }
0xd7: {  	[tilespmem:s20], [sflag:$0x1] =	stream.indirect_vreg.gather [hbm4b:s5+s2], $0x80, v4, vm0, $0xb8;
	[tilespmem:$0x10200] =	vst v63  }
0xd8: {  	s21 =	simm.s32 $0xDA00  }
0xd9: {  	[tilespmem:s21], [sflag:$0x1] =	stream.indirect_vreg.gather [hbm4b:s6+s2], $0x80, v4, vm0, $0xb8;
	[tilespmem:$0x10200] =	vst v63  }
0xda: {  	s20 =	simm.s32 $0xE200  }
0xdb: {  	[tilespmem:s20], [sflag:$0x1] =	stream.indirect_vreg.gather [hbm4b:s3+s2], $0x80, v3, vm0, $0xb8;
	[tilespmem:$0x10200] =	vst v63  }
0xdc: {  	s21 =	simm.s32 $0xEA00  }
0xdd: {  	[tilespmem:s21], [sflag:$0x1] =	stream.indirect_vreg.gather [hbm4b:s4+s2], $0x80, v3, vm0, $0xb8;
	[tilespmem:$0x10200] =	vst v63  }
0xde: {  	s20 =	simm.s32 $0xF200  }
0xdf: {  	[tilespmem:s20], [sflag:$0x1] =	stream.indirect_vreg.gather [hbm4b:s5+s2], $0x80, v3, vm0, $0xb8;
	[tilespmem:$0x10200] =	vst v63  }
0xe0: {  	s21 =	simm.s32 $0xFA00  }
0xe1: {  	[tilespmem:s21], [sflag:$0x1] =	stream.indirect_vreg.gather [hbm4b:s6+s2], $0x80, v3, vm0, $0xb8;
	[tilespmem:$0x10200] =	vst v63  }
0xe2: {  	_ =	swait.ge [sflag:s18], $0x8000  }
0xe3: {  	[sflag:s18] =	ssyncset.done $0x0  }
0xe4: {  	s1 =	rddreg [dreg:$0x8];
	[sflag:s18] =	ssyncadd.s32 $0xFFFF8000  }
0xe5: {  	[hbm4b:s1+s2] =	stream.linear.scatter [tilespmem:s25], [sflag:$0x2], $0x8000, $0x38;
	[tilespmem:$0x10200] =	vst v63  }
0xe6: {  	_ =	swait.ge [sflag:s18], $0x8000  }
0xe7: {  	[sflag:s18] =	ssyncset.done $0x0  }
0xe8: {  	s21 =	rddreg [dreg:$0x9];
	[sflag:s18] =	ssyncadd.s32 $0xFFFF8000  }
0xe9: {  	[hbm4b:s21+s2] =	stream.linear.scatter [tilespmem:s0], [sflag:$0x2], $0x8000, $0x38;
	[tilespmem:$0x10200] =	vst v63  }
0xea: {  	p0 =	sne.s32 s7, $0x1;
	_ =	swait.ge [sflag:s19], $0x8000  }
.Ltmp0:
0xeb: {  	[sflag:s19] =	ssyncset.done $0x0;
	(pc) =	sbr.rel @p0 .LBB2_1-.Ltmp0, $4  }
0xec: {  	[sflag:s19] =	ssyncadd.s32 $0xFFFF8000  }
0xed: {  	_ =	swait.ge [sflag:s19], $0x8000  }
0xee: {  	[sflag:s19] =	ssyncset.done $0x0  }
0xef: {  	s7 =	sadd.s32 $0xFFFFFFFF, s7;
	[sflag:s19] =	ssyncadd.s32 $0xFFFF8000  }
0xf0: {  	_ =	sfence.sel $0x180000  }
0xf1: {  	[bflag:$0x0] =	sbarrier.arrive $0xFFFF  }
0xf2: {  	_ =	strace $0x9000004A  }
0xf3: {  	s0 =	stileid.u32;
	[bflag:$0x2] =	sbarrier.arrive $0xFFFF  }
0xf4: {  	p0 =	sne.s32 s0, $0x0;
	s0 =	rddreg [dreg:$0x1]  }
0xf5: {  	s0 =	sadd.s32 @!p0 $0x100000, s0  }
0xf6: {  	[sflag:s0] =	ssyncadd.tile.s32 @!p0 $0x1;
	_ =	shalt  }
.Lfunc_end2:
_tile_overlayer_lowered:
.L_overlay_start_2:
0xf7: {  	(tag) =	ssettag $0x2  }
0xf8: {  	s0 =	rddreg [dreg:$0x0];
	s2 =	stileid.u32  }
0xf9: {  	s1 =	rddreg [dreg:$0x1];
	p0 =	sne.s32 s2, $0x0  }
0xfa: {  	s3 =	rddreg [dreg:$0x2];
	[bflag:$0x3] =	sbarrier.arrive $0xFFFF;
	s2 =	simm.s32 @!p0 $0x1C03  }
0xfb: {  	[timem:s3], [sflag:s2] =	dma.local @!p0 [hbm:s0], s1  }
0xfc: {  	s0 =	simm.s32 @!p0 $0x3  }
0xfd: {  	_ =	swait.ge @!p0 [sflag:s0], s1  }
0xfe: {  	s1 =	ssub.s32 @!p0 $0x0, s1;
	[sflag:s0] =	ssyncset.done @!p0 $0x0  }
0xff: {  	[sflag:s0] =	ssyncadd.s32 @!p0 s1  }
0x100: {  	[bflag:$0x3] =	sbarrier.arrive $0xFFFF  }
0x101: {  	_ =	shalt  }

// kernel: kernel.8.cloned.1.call-start
scs
__scs_entry_jumppad:
0x0: {  	(pc) =	sbr.rel $0x88, $3  }
0x1: {  	(tag) =	ssettag $0x0;
	lr =	simm.s32 $0x1  }
0x2: {  	[smem:$0x3F99] =	sst lr;
	_ =	strace $0xD0000000  }
0x3: {  	_ = 	snop  }
0x4: {  	_ = 	snop  }
0x5: {  	_ = 	snop  }
0x6: {  	_ = 	snop  }
0x7: {  	_ = 	snop  }
__scs_overlays_trampoline_lowered:
0x8: {  	[smem:$0x3FA8] =	sst s0  }
0x9: {  	[smem:$0x3FA9] =	sst s1  }
0xa: {  	[smem:$0x3FAA] =	sst s2  }
0xb: {  	[smem:$0x3FAB] =	sst s3  }
0xc: {  	[smem:$0x3FAC] =	sst s4  }
0xd: {  	[smem:$0x3FAD] =	sst s5  }
0xe: {  	[smem:$0x3FAE] =	sst s6  }
0xf: {  	[smem:$0x3FAF] =	sst s7  }
0x10: {  	[smem:$0x3FB0] =	sst s8  }
0x11: {  	[smem:$0x3FB1] =	sst s9;
	s0 =	simm.s32 @!p0 $0x0  }
0x12: {  	s1 =	sld [smem:$0x3F97];
	s0 =	simm.s32 @p0 $0x1  }
0x13: {  	[smem:$0x3FB2] =	sst s0;
	s0 =	simm.s32 @!p1 $0x0  }
0x14: {  	s2 =	sld [smem:$0x3F96];
	s0 =	simm.s32 @p1 $0x1  }
0x15: {  	[smem:$0x3FB3] =	sst s0;
	s0 =	simm.s32 @!p2 $0x0  }
0x16: {  	s3 =	sld [smem:$0x3FDB];
	s0 =	simm.s32 @p2 $0x1  }
0x17: {  	s4 =	simm.s32 $0x1BF5;
	[smem:$0x3FB5] =	sst s0  }
0x18: {  	s0 =	sld [smem:$0x3F98];
	_ =	swait.ge [sflag:s4], $0x0  }
0x19: {  	s7 =	sld [smem:$0x3F99]  }
0x1a: {  	s8 =	sadd.s32 $0xFFFFE003, lr  }
0x1b: {  	s9 =	sadd.s32 $0xFFFFFEF7, lr;
	s5 =	simm.s32 $0xFFFFFFFF;
	p2 =	slt.u32 s8, $0xFFFFF086  }
0x1c: {  	p1 =	slt.u32 s9, $0xF7A;
	s5 =	simm.s32 @!p2 $0x0  }
0x1d: {  	s5 =	simm.s32 @p1 $0x1;
	p0 =	seq.s32 s7, s2  }
0x1e: {  	s7 =	smul.u32 @!p0 $0xF7A, s2;
	p2 =	seq.s32 @!p0 s5, $0x0  }
0x1f: {  	s9 =	smul.u32 $0xF7A, s1;
	s8 =	simm.s32 @!p0 $0x1BF5;
	p2 =	por !p2, p0  }
0x20: {  	[sflag:s8] =	ssyncset.s32 @!p0 $0xFFFFF086;
	s6 =	sadd.s32 @!p0 s3, s7;
	s7 =	simm.s32 @!p0 $0x108  }
0x21: {  	s3 =	sadd.s32 s3, s9;
	s6 =	sadd.s32 @!p0 $0x88, s6;
	s7 =	simm.s32 @p2 $0x1082  }
0x22: {  	[simem:s7], [sflag:s8] =	dma.local @!p0 [hbm:s6], $0xF7A  }
0x23: {  	s9 =	sor.u32 $0xD0000000, s2;
	s6 =	simm.s32 $0x108;
	_ =	swait.ge @!p0 [sflag:s8], $0x0  }
0x24: {  	s3 =	sadd.s32 $0x88, s3;
	s6 =	simm.s32 @!p1 $0x1082;
	[sflag:s4] =	ssyncset.s32 $0xFFFFF086  }
0x25: {  	[simem:s6], [sflag:s4] =	dma.local [hbm:s3], $0xF7A  }
0x26: {  	[smem:$0x3F99] =	sst s1;
	(tag) =	ssettag s2;
	_ =	strace s9  }
0x27: {  	s1 =	sld [smem:$0x3FA9]  }
0x28: {  	s2 =	sld [smem:$0x3FAA]  }
0x29: {  	s4 =	sld [smem:$0x3FAC]  }
0x2a: {  	p0 =	seq.s32 s5, $0x0;
	s5 =	sld [smem:$0x3FAD]  }
0x2b: {  	s6 =	sld [smem:$0x3FAE]  }
0x2c: {  	s7 =	sld [smem:$0x3FAF]  }
0x2d: {  	s3 =	simm.s32 $0x108;
	s8 =	sld [smem:$0x3FB0]  }
0x2e: {  	s3 =	simm.s32 @!p0 $0x1082;
	s9 =	sld [smem:$0x3FB1]  }
0x2f: {  	lr =	sadd.s32 s0, s3;
	s0 =	sld [smem:$0x3FA8]  }
0x30: {  	s3 =	sld [smem:$0x3FAB]  }
0x31: {  	[smem:$0x3FB4] =	sst s10  }
0x32: {  	s10 =	sld [smem:$0x3FB2];
	_ =	sdelay $0x3  }
0x33: {  	p0 =	seq.s32 s10, $0x1;
	s10 =	sld [smem:$0x3FB4];
	_ =	sdelay $0x3  }
0x34: {  	[smem:$0x3FB4] =	sst s10  }
0x35: {  	s10 =	sld [smem:$0x3FB3];
	_ =	sdelay $0x3  }
0x36: {  	p1 =	seq.s32 s10, $0x1;
	s10 =	sld [smem:$0x3FB4];
	_ =	sdelay $0x3  }
0x37: {  	[smem:$0x3FB4] =	sst s10  }
0x38: {  	s10 =	sld [smem:$0x3FB5]  }
0x39: {  	_ = 	snop;
	(pc) =	sbr.ind lr, $3  }
0x3a: {  	_ = 	snop  }
0x3b: {  	_ = 	snop  }
0x3c: {  	p2 =	seq.s32 s10, $0x1;
	s10 =	sld [smem:$0x3FB4]  }
0x3d: {  	_ =	shalt  }
0x3e: {  	_ =	shalt  }
0x3f: {  	_ =	shalt  }
0x40: {  	_ =	shalt  }
0x41: {  	_ =	shalt  }
0x42: {  	_ =	shalt  }
0x43: {  	_ =	shalt  }
0x44: {  	_ =	shalt  }
0x45: {  	_ =	shalt  }
0x46: {  	_ =	shalt  }
0x47: {  	_ =	shalt  }
0x48: {  	_ =	shalt  }
0x49: {  	_ =	shalt  }
0x4a: {  	_ =	shalt  }
0x4b: {  	_ =	shalt  }
0x4c: {  	_ =	shalt  }
0x4d: {  	_ =	shalt  }
0x4e: {  	_ =	shalt  }
0x4f: {  	_ =	shalt  }
0x50: {  	_ =	shalt  }
0x51: {  	_ =	shalt  }
0x52: {  	_ =	shalt  }
0x53: {  	_ =	shalt  }
0x54: {  	_ =	shalt  }
0x55: {  	_ =	shalt  }
0x56: {  	_ =	shalt  }
0x57: {  	_ =	shalt  }
0x58: {  	_ =	shalt  }
0x59: {  	_ =	shalt  }
0x5a: {  	_ =	shalt  }
0x5b: {  	_ =	shalt  }
0x5c: {  	_ =	shalt  }
0x5d: {  	_ =	shalt  }
0x5e: {  	_ =	shalt  }
0x5f: {  	_ =	shalt  }
0x60: {  	_ =	shalt  }
0x61: {  	_ =	shalt  }
0x62: {  	_ =	shalt  }
0x63: {  	_ =	shalt  }
0x64: {  	_ =	shalt  }
0x65: {  	_ =	shalt  }
0x66: {  	_ =	shalt  }
0x67: {  	_ =	shalt  }
0x68: {  	_ =	shalt  }
0x69: {  	_ =	shalt  }
0x6a: {  	_ =	shalt  }
0x6b: {  	_ =	shalt  }
0x6c: {  	_ =	shalt  }
0x6d: {  	_ =	shalt  }
0x6e: {  	_ =	shalt  }
0x6f: {  	_ =	shalt  }
0x70: {  	_ =	shalt  }
0x71: {  	_ =	shalt  }
0x72: {  	_ =	shalt  }
0x73: {  	_ =	shalt  }
0x74: {  	_ =	shalt  }
0x75: {  	_ =	shalt  }
0x76: {  	_ =	shalt  }
0x77: {  	_ =	shalt  }
0x78: {  	_ =	shalt  }
0x79: {  	_ =	shalt  }
0x7a: {  	_ =	shalt  }
0x7b: {  	_ =	shalt  }
0x7c: {  	_ =	shalt  }
0x7d: {  	_ =	shalt  }
0x7e: {  	_ =	shalt  }
0x7f: {  	_ =	shalt  }
0x80: {  	_ =	shalt  }
0x81: {  	_ =	shalt  }
0x82: {  	_ =	shalt  }
0x83: {  	_ =	shalt  }
0x84: {  	_ =	shalt  }
0x85: {  	_ =	shalt  }
0x86: {  	_ =	shalt  }
0x87: {  	_ =	shalt  }
.Lfunc_end0:
.L_simem_size_0:
called_computation_lowered:
.L_overlay_start_0:
0x88: {  	s2 =	sld [smem:$0x3FD9]  }
0x89: {  	s3 =	sld [smem:$0x3FFE];
	_ =	sdelay $0x1  }
0x8a: {  	s1 =	srdreg.scid  }
0x8b: {  	s0 =	sand.u32 $0x1, s1  }
0x8c: {  	s17 =	sshll.u32 s0, $0xA;
	s2 =	sadd.s32 s3, s2  }
0x8d: {  	s2 =	sadd.s32 s2, s17  }
0x8e: {  	[smem:$0x3FC0] =	sst s2  }
0x8f: {  	_ = 	snop  }
0x90: {  	s2 =	sld [smem:$0x3FC9];
	(tm) =	ssettm $0x1  }
0x91: {  	s18 =	sld [smem:$0x3FFB];
	_ =	sdelay $0x3  }
0x92: {  	_ =	strace s18  }
0x93: {  	s3 =	sld [smem:$0x3FFC];
	_ =	sdelay $0x3  }
0x94: {  	_ =	strace s3  }
0x95: {  	s3 =	sld [smem:$0x3FFD];
	_ =	sdelay $0x3  }
0x96: {  	_ =	strace s3  }
0x97: {  	_ =	strace $0x8FFFFFFF  }
0x98: {  	s19 =	sld [smem:$0x3FDB];
	_ =	sdelay $0x1  }
0x99: {  	s4 =	simm.s32 $_scs_section_size  }
0x9a: {  	s5 =	simm.s32 $_size__tile_overlayer_lowered;
	s6 =	simm.s32 $_tile_overlayer_lowered  }
0x9b: {  	s22 =	simm.s32 $0x1BFF;
	s21 =	sshll.u32 s6, $0x1;
	s3 =	sadd.s32 s4, s19  }
0x9c: {  	s7 =	simm.s32 $0x0;
	s20 =	sshll.u32 s5, $0x1;
	s5 =	sadd.s32 s21, s3  }
0x9d: {  	[timem:s7], [sflag:s22] =	dma.local [hbm:s5], s20  }
0x9e: {  	_ =	swait.ge [sflag:s22], s20  }
0x9f: {  	s4 =	ssub.s32 $0x0, s20;
	[sflag:s22] =	ssyncset.done $0x0  }
0xa0: {  	[sflag:s22] =	ssyncadd.s32 s4;
	_ =	sdelay $0x1  }
0xa1: {  	s23 =	simm.s32 $0x1B8B  }
0xa2: {  	_ =	swait.ge [sflag:s23], $0x1  }
0xa3: {  	[sflag:s23] =	ssyncset.done $0x0  }
0xa4: {  	s25 =	simm.s32 $0x1B8E;
	s24 =	sld [smem:$0x3FFE];
	[sflag:s23] =	ssyncadd.s32 $0xFFFFFFFF  }
0xa5: {  	s26 =	simm.s32 $execute0_lowered;
	[smem:$0x3FD2] =	sst s25  }
0xa6: {  	s5 =	sshll.u32 s26, $0x1;
	_ =	strace $0x80000046;
	[dreg:$0x1] =	wrdreg $0xFFFFFFFF  }
0xa7: {  	s28 =	simm.s32 $_size_execute0_lowered;
	s3 =	sadd.s32 s3, s5;
	[dreg:$0x0] =	wrdreg $0x0  }
0xa8: {  	s5 =	sshll.u32 s28, $0x1;
	[dreg:$0x2] =	wrdreg s3  }
0xa9: {  	[dreg:$0x3] =	wrdreg s5  }
0xaa: {  	[dreg:$0x4] =	wrdreg $0xC0  }
0xab: {  	_ =	task [dreg:s7], $0x5FFFF  }
0xac: {  	[dreg:$0x1] =	wrdreg $0xFFFFFFFF  }
0xad: {  	[dreg:$0x0] =	wrdreg $0x60  }
0xae: {  	[dreg:$0x2] =	wrdreg s2  }
0xaf: {  	[dreg:$0x3] =	wrdreg s24  }
0xb0: {  	[dreg:$0x4] =	wrdreg $0x9  }
0xb1: {  	_ =	task.clear_ibuf [dreg:s7], $0x5FFFF;
	_ =	strace $0x90000046  }
0xb2: {  	s29 =	simm.s32 $0x9;
	_ =	strace $0x80000048  }
0xb3: {  	_ =	swait.ge [sflag:s29], $0x1  }
0xb4: {  	[sflag:s29] =	ssyncadd.s32 $0xFFFFFFFF  }
0xb5: {  	_ =	strace $0x90000048  }
0xb6: {  	_ =	sfence  }
0xb7: {  	s30 =	sld [smem:$0x0];
	_ =	sdelay $0x2  }
0xb8: {  	s31 =	sshll.u32 s1, $0xD;
	s1 =	sshrl.u32 s1, $0x2  }
0xb9: {  	s3 =	sand.u32 $0x4000, s31;
	s1 =	sadd.s32 s1, s30  }
0xba: {  	s0 =	sor.u32 s3, s0;
	s1 =	sshll.u32 s1, $0x11  }
0xbb: {  	s0 =	sor.u32 s1, s0  }
0xbc: {  	s0 =	sadd.s32 $0x8F2B, s0  }
0xbd: {  	[sflag:s0] =	ssyncadd.remote.s32 $0x1  }
0xbe: {  	_ =	sfence.sel $0xFFFF  }
0xbf: {  	[dreg:$0x0] =	wrdreg $0xFFFFFFFF;
	(pc) =	sbr.abs _section_cstart, $3  }
0xc0: {  	[dreg:$0x1] =	wrdreg $0xFFFFFFFF  }
0xc1: {  	_ =	task.clear_ibuf [dreg:s7], $0x2FFFF;
	_ =	strace $0x9FFFFFFF  }
0xc2: {  	(tm) =	ssettm $0x7FFFFFFF  }
0xc3: {  	_ =	shalt  }
tec
execute0_lowered:
.L_overlay_start_1:
0x0: {  	(tag) =	ssettag $0x1  }
0x1: {  	s0 =	rddreg [dreg:$0x0]  }
0x2: {  	s1 =	rddreg [dreg:$0x1];
	s3 =	srdreg.scid;
	s2 =	simm.s32 $0x0  }
0x3: {  	s5 =	stileid.u32;
	s24 =	simm.s32 $0x80;
	s25 =	simm.s32 $0x100  }
0x4: {  	s26 =	simm.s32 $0x180;
	s10 =	simm.s32 $0x4;
	s11 =	simm.s32 $0x1  }
0x5: {  	s28 =	simm.s32 $0x2;
	s29 =	simm.s32 $0x2A00;
	s30 =	simm.s32 $0x3200  }
0x6: {  	s31 =	simm.s32 $0x3A00;
	s4 =	sand.u32 $0x1, s3;
	[smem:$0x7FF] =	sst s2  }
0x7: {  	s14 =	sshll.u32 s5, $0x7;
	s16 =	sadd.s32 $0x10200, s1;
	s8 =	sadd.s32 $0x10400, s1  }
0x8: {  	s5 =	sadd.s32 $0x10C00, s1;
	_ =	strace $0x80000047;
	[dreg:$0x9] =	wrdreg s24  }
0x9: {  	s15 =	sshll.u32 s4, $0x6;
	s4 =	ssub.s32 $0x2, s4;
	[dreg:$0xa] =	wrdreg s25  }
0xa: {  	[dreg:$0xb] =	wrdreg s26;
	s26 =	simm.s32 $0x2200;
	s3 =	sor.u32 s15, s14  }
0xb: {  	s21 =	sshrl.u32 s4, $0x1;
	s6 =	sshll.u32 s3, $0x7;
	s7 =	sor.u32 $0x20, s3  }
0xc: {  	s17 =	sshrl.u32 s3, $0x3;
	s3 =	sadd.s32 $0x10A00, s1;
	s23 =	ssub.s32 s4, s21  }
0xd: {  	s4 =	sadd.s32 $0x10B00, s1;
	s21 =	simm.s32 $0xFA00;
	s6 =	sadd.s32 s0, s6  }
0xe: {  	s9 =	sshll.u32 s7, $0x7;
	s18 =	sadd.s32 s16, s17;
	[dreg:$0x3] =	wrdreg s6  }
0xf: {  	s7 =	sshrl.u32 s7, $0x3;
	s20 =	sadd.s32 s8, s17;
	[dreg:$0x5] =	wrdreg s18  }
0x10: {  	s0 =	sadd.s32 s0, s9;
	s19 =	sadd.s32 s16, s7;
	[dreg:$0x7] =	wrdreg s20  }
0x11: {  	s22 =	sadd.s32 s8, s7;
	s6 =	sadd.s32 $0x10D00, s1;
	s7 =	smax.u32 s23, $0x1  }
0x12: {  	v2 =	vlaneseq.u32;
	s8 =	simm.s32 $0x200;
	s9 =	simm.s32 $0x8200;
	[dreg:$0x4] =	wrdreg s0  }
0x13: {  	vm0 =	vmmov $0xffff;
	v1 =	vshrl.u32 v2, $0x3;
	s18 =	simm.s32 $0xE200;
	s20 =	simm.s32 $0xF200;
	[dreg:$0x6] =	wrdreg s19  }
0x14: {  	v0 =	vand.u32 $0x7, v2;
	v2 =	vor.u32 $0x8, v2;
	v1 =	vmul.u32 $0x8, v1;
	[dreg:$0x8] =	wrdreg s22;
	s19 =	simm.s32 $0xEA00;
	s22 =	simm.s32 $0x3  }
.LBB2_1:
0x15: {  	s23 =	rddreg [dreg:$0x3]  }
0x16: {  	[tilespmem:s8], [sflag:$0x1] =	stream.linear.gather [hbm4b:s23+s2], $0x8000, $0x38;
	[tilespmem:$0x10200] =	vst v63  }
0x17: {  	s24 =	rddreg [dreg:$0x4]  }
0x18: {  	[tilespmem:s9], [sflag:$0x2] =	stream.linear.gather [hbm4b:s24+s2], $0x8000, $0x38;
	[tilespmem:$0x10200] =	vst v63  }
0x19: {  	s13 =	rddreg [dreg:$0x5]  }
0x1a: {  	[tilespmem:s2], [sflag:$0x4] =	stream.linear.gather [hbm4b:s13+s2], $0x20, $0x38;
	[tilespmem:$0x10200] =	vst v63  }
0x1b: {  	_ =	swait.ge [sflag:s10], $0x20  }
0x1c: {  	s14 =	rddreg [dreg:$0x6];
	[sflag:s10] =	ssyncset.done $0x0  }
0x1d: {  	s15 =	rddreg [dreg:$0x9];
	[sflag:s10] =	ssyncadd.s32 $0xFFFFFFE0  }
0x1e: {  	[tilespmem:s15], [sflag:$0x4] =	stream.linear.gather [hbm4b:s14+s2], $0x20, $0x38;
	[tilespmem:$0x10200] =	vst v63  }
0x1f: {  	_ =	swait.ge [sflag:s10], $0x20  }
0x20: {  	s16 =	rddreg [dreg:$0x7];
	[sflag:s10] =	ssyncset.done $0x0  }
0x21: {  	s17 =	rddreg [dreg:$0xa];
	[sflag:s10] =	ssyncadd.s32 $0xFFFFFFE0  }
0x22: {  	[tilespmem:s17], [sflag:$0x4] =	stream.linear.gather [hbm4b:s16+s2], $0x20, $0x38;
	[tilespmem:$0x10200] =	vst v63  }
0x23: {  	_ =	swait.ge [sflag:s10], $0x20  }
0x24: {  	s24 =	rddreg [dreg:$0x8];
	[sflag:s10] =	ssyncset.done $0x0  }
0x25: {  	s25 =	rddreg [dreg:$0xb];
	[sflag:s10] =	ssyncadd.s32 $0xFFFFFFE0  }
0x26: {  	[tilespmem:s25], [sflag:$0x4] =	stream.linear.gather [hbm4b:s24+s2], $0x20, $0x38;
	[tilespmem:$0x10200] =	vst v63  }
0x27: {  	_ =	swait.ge [sflag:s10], $0x20  }
0x28: {  	[sflag:s10] =	ssyncset.done $0x0  }
0x29: {  	[sflag:s10] =	ssyncadd.s32 $0xFFFFFFE0  }
0x2a: {  	_ =	swait.ge [sflag:s11], $0x8000  }
0x2b: {  	[sflag:s11] =	ssyncset.done $0x0  }
0x2c: {  	[sflag:s11] =	ssyncadd.s32 $0xFFFF8000  }
0x2d: {  	v3 =	vld [tilespmem:$0x0];
	_ =	sdelay $0x4  }
0x2e: {  	v4 =	vshll.u32 v3, $0x3  }
0x2f: {  	v3 =	vand.u32 $0x7, v3;
	v4 =	vand.u32 $0xFFFFFFC0, v4  }
0x30: {  	v3 =	vor.u32 v3, v4  }
0x31: {  	v4 =	vperm.xlane v3, v0;
	_ =	sdelay $0x1  }
0x32: {  	v4 =	vadd.s32 v1, v4;
	_ =	sdelay $0x4  }
0x33: {  	[hbm4b:s3+s2] =	stream.indirect_vreg.scatter [tilespmem:s8], [sflag:$0x3], $0x80, v4, vm0, $0xb8;
	[tilespmem:$0x10200] =	vst v63  }
0x34: {  	s23 =	simm.s32 $0xA00;
	v3 =	vperm.xlane v3, v2  }
0x35: {  	[hbm4b:s4+s2] =	stream.indirect_vreg.scatter [tilespmem:s23], [sflag:$0x3], $0x80, v4, vm0, $0xb8;
	[tilespmem:$0x10200] =	vst v63  }
0x36: {  	s24 =	simm.s32 $0x1200;
	v3 =	vadd.s32 v1, v3  }
0x37: {  	[hbm4b:s5+s2] =	stream.indirect_vreg.scatter [tilespmem:s24], [sflag:$0x3], $0x80, v4, vm0, $0xb8;
	[tilespmem:$0x10200] =	vst v63  }
0x38: {  	s25 =	simm.s32 $0x1A00  }
0x39: {  	[hbm4b:s6+s2] =	stream.indirect_vreg.scatter [tilespmem:s25], [sflag:$0x3], $0x80, v4, vm0, $0xb8;
	[tilespmem:$0x10200] =	vst v63  }
0x3a: {  	_ = 	snop  }
0x3b: {  	[hbm4b:s3+s2] =	stream.indirect_vreg.scatter [tilespmem:s26], [sflag:$0x3], $0x80, v3, vm0, $0xb8;
	[tilespmem:$0x10200] =	vst v63  }
0x3c: {  	_ = 	snop  }
0x3d: {  	[hbm4b:s4+s2] =	stream.indirect_vreg.scatter [tilespmem:s29], [sflag:$0x3], $0x80, v3, vm0, $0xb8;
	[tilespmem:$0x10200] =	vst v63  }
0x3e: {  	_ = 	snop  }
0x3f: {  	[hbm4b:s5+s2] =	stream.indirect_vreg.scatter [tilespmem:s30], [sflag:$0x3], $0x80, v3, vm0, $0xb8;
	[tilespmem:$0x10200] =	vst v63  }
0x40: {  	_ = 	snop  }
0x41: {  	[hbm4b:s6+s2] =	stream.indirect_vreg.scatter [tilespmem:s31], [sflag:$0x3], $0x80, v3, vm0, $0xb8;
	[tilespmem:$0x10200] =	vst v63  }
0x42: {  	v3 =	vld [tilespmem:$0x10];
	_ =	sdelay $0x4  }
0x43: {  	v57 =	vshll.u32 v3, $0x3  }
0x44: {  	v3 =	vand.u32 $0x7, v3;
	v4 =	vand.u32 $0xFFFFFFC0, v57  }
0x45: {  	v3 =	vor.u32 v3, v4  }
0x46: {  	v4 =	vperm.xlane v3, v0;
	_ =	sdelay $0x1  }
0x47: {  	v4 =	vadd.s32 v1, v4;
	_ =	sdelay $0x3  }
0x48: {  	s0 =	simm.s32 $0x4200  }
0x49: {  	[hbm4b:s3+s2] =	stream.indirect_vreg.scatter [tilespmem:s0], [sflag:$0x3], $0x80, v4, vm0, $0xb8;
	[tilespmem:$0x10200] =	vst v63  }
0x4a: {  	s1 =	simm.s32 $0x4A00;
	v3 =	vperm.xlane v3, v2  }
0x4b: {  	[hbm4b:s4+s2] =	stream.indirect_vreg.scatter [tilespmem:s1], [sflag:$0x3], $0x80, v4, vm0, $0xb8;
	[tilespmem:$0x10200] =	vst v63  }
0x4c: {  	s12 =	simm.s32 $0x5200;
	v3 =	vadd.s32 v1, v3  }
0x4d: {  	[hbm4b:s5+s2] =	stream.indirect_vreg.scatter [tilespmem:s12], [sflag:$0x3], $0x80, v4, vm0, $0xb8;
	[tilespmem:$0x10200] =	vst v63  }
0x4e: {  	s13 =	simm.s32 $0x5A00  }
0x4f: {  	[hbm4b:s6+s2] =	stream.indirect_vreg.scatter [tilespmem:s13], [sflag:$0x3], $0x80, v4, vm0, $0xb8;
	[tilespmem:$0x10200] =	vst v63  }
0x50: {  	s14 =	simm.s32 $0x6200  }
0x51: {  	[hbm4b:s3+s2] =	stream.indirect_vreg.scatter [tilespmem:s14], [sflag:$0x3], $0x80, v3, vm0, $0xb8;
	[tilespmem:$0x10200] =	vst v63  }
0x52: {  	s15 =	simm.s32 $0x6A00  }
0x53: {  	[hbm4b:s4+s2] =	stream.indirect_vreg.scatter [tilespmem:s15], [sflag:$0x3], $0x80, v3, vm0, $0xb8;
	[tilespmem:$0x10200] =	vst v63  }
0x54: {  	s16 =	simm.s32 $0x7200  }
0x55: {  	[hbm4b:s5+s2] =	stream.indirect_vreg.scatter [tilespmem:s16], [sflag:$0x3], $0x80, v3, vm0, $0xb8;
	[tilespmem:$0x10200] =	vst v63  }
0x56: {  	s17 =	simm.s32 $0x7A00  }
0x57: {  	[hbm4b:s6+s2] =	stream.indirect_vreg.scatter [tilespmem:s17], [sflag:$0x3], $0x80, v3, vm0, $0xb8;
	[tilespmem:$0x10200] =	vst v63  }
0x58: {  	v3 =	vld [tilespmem:$0x100];
	_ =	sdelay $0x4  }
0x59: {  	v58 =	vshll.u32 v3, $0x3  }
0x5a: {  	v3 =	vand.u32 $0x7, v3;
	v4 =	vand.u32 $0xFFFFFFC0, v58  }
0x5b: {  	v3 =	vor.u32 v3, v4  }
0x5c: {  	v4 =	vperm.xlane v3, v0;
	_ =	sdelay $0x1  }
0x5d: {  	v4 =	vadd.s32 v1, v4;
	_ =	sdelay $0x4  }
0x5e: {  	[hbm4b:s3+s2] =	stream.indirect_vreg.scatter [tilespmem:s8], [sflag:$0x3], $0x80, v4, vm0, $0xb8;
	[tilespmem:$0x10200] =	vst v63  }
0x5f: {  	v3 =	vperm.xlane v3, v2  }
0x60: {  	[hbm4b:s4+s2] =	stream.indirect_vreg.scatter [tilespmem:s23], [sflag:$0x3], $0x80, v4, vm0, $0xb8;
	[tilespmem:$0x10200] =	vst v63  }
0x61: {  	v3 =	vadd.s32 v1, v3  }
0x62: {  	[hbm4b:s5+s2] =	stream.indirect_vreg.scatter [tilespmem:s24], [sflag:$0x3], $0x80, v4, vm0, $0xb8;
	[tilespmem:$0x10200] =	vst v63  }
0x63: {  	_ = 	snop  }
0x64: {  	[hbm4b:s6+s2] =	stream.indirect_vreg.scatter [tilespmem:s25], [sflag:$0x3], $0x80, v4, vm0, $0xb8;
	[tilespmem:$0x10200] =	vst v63  }
0x65: {  	_ = 	snop  }
0x66: {  	[hbm4b:s3+s2] =	stream.indirect_vreg.scatter [tilespmem:s26], [sflag:$0x3], $0x80, v3, vm0, $0xb8;
	[tilespmem:$0x10200] =	vst v63  }
0x67: {  	_ = 	snop  }
0x68: {  	[hbm4b:s4+s2] =	stream.indirect_vreg.scatter [tilespmem:s29], [sflag:$0x3], $0x80, v3, vm0, $0xb8;
	[tilespmem:$0x10200] =	vst v63  }
0x69: {  	_ = 	snop  }
0x6a: {  	[hbm4b:s5+s2] =	stream.indirect_vreg.scatter [tilespmem:s30], [sflag:$0x3], $0x80, v3, vm0, $0xb8;
	[tilespmem:$0x10200] =	vst v63  }
0x6b: {  	_ = 	snop  }
0x6c: {  	[hbm4b:s6+s2] =	stream.indirect_vreg.scatter [tilespmem:s31], [sflag:$0x3], $0x80, v3, vm0, $0xb8;
	[tilespmem:$0x10200] =	vst v63  }
0x6d: {  	v3 =	vld [tilespmem:$0x110];
	_ =	sdelay $0x4  }
0x6e: {  	v59 =	vshll.u32 v3, $0x3  }
0x6f: {  	v3 =	vand.u32 $0x7, v3;
	v4 =	vand.u32 $0xFFFFFFC0, v59  }
0x70: {  	v3 =	vor.u32 v3, v4  }
0x71: {  	v4 =	vperm.xlane v3, v0;
	_ =	sdelay $0x1  }
0x72: {  	v4 =	vadd.s32 v1, v4;
	_ =	sdelay $0x4  }
0x73: {  	[hbm4b:s3+s2] =	stream.indirect_vreg.scatter [tilespmem:s0], [sflag:$0x3], $0x80, v4, vm0, $0xb8;
	[tilespmem:$0x10200] =	vst v63  }
0x74: {  	v3 =	vperm.xlane v3, v2  }
0x75: {  	[hbm4b:s4+s2] =	stream.indirect_vreg.scatter [tilespmem:s1], [sflag:$0x3], $0x80, v4, vm0, $0xb8;
	[tilespmem:$0x10200] =	vst v63  }
0x76: {  	v3 =	vadd.s32 v1, v3  }
0x77: {  	[hbm4b:s5+s2] =	stream.indirect_vreg.scatter [tilespmem:s12], [sflag:$0x3], $0x80, v4, vm0, $0xb8;
	[tilespmem:$0x10200] =	vst v63  }
0x78: {  	_ = 	snop  }
0x79: {  	[hbm4b:s6+s2] =	stream.indirect_vreg.scatter [tilespmem:s13], [sflag:$0x3], $0x80, v4, vm0, $0xb8;
	[tilespmem:$0x10200] =	vst v63  }
0x7a: {  	_ = 	snop  }
0x7b: {  	[hbm4b:s3+s2] =	stream.indirect_vreg.scatter [tilespmem:s14], [sflag:$0x3], $0x80, v3, vm0, $0xb8;
	[tilespmem:$0x10200] =	vst v63  }
0x7c: {  	_ = 	snop  }
0x7d: {  	[hbm4b:s4+s2] =	stream.indirect_vreg.scatter [tilespmem:s15], [sflag:$0x3], $0x80, v3, vm0, $0xb8;
	[tilespmem:$0x10200] =	vst v63  }
0x7e: {  	_ = 	snop  }
0x7f: {  	[hbm4b:s5+s2] =	stream.indirect_vreg.scatter [tilespmem:s16], [sflag:$0x3], $0x80, v3, vm0, $0xb8;
	[tilespmem:$0x10200] =	vst v63  }
0x80: {  	_ = 	snop  }
0x81: {  	[hbm4b:s6+s2] =	stream.indirect_vreg.scatter [tilespmem:s17], [sflag:$0x3], $0x80, v3, vm0, $0xb8;
	[tilespmem:$0x10200] =	vst v63  }
0x82: {  	_ =	swait.ge [sflag:s28], $0x8000  }
0x83: {  	[sflag:s28] =	ssyncset.done $0x0  }
0x84: {  	[sflag:s28] =	ssyncadd.s32 $0xFFFF8000  }
0x85: {  	v3 =	vld [tilespmem:$0x80];
	_ =	sdelay $0x4  }
0x86: {  	v60 =	vshll.u32 v3, $0x3  }
0x87: {  	v3 =	vand.u32 $0x7, v3;
	v4 =	vand.u32 $0xFFFFFFC0, v60  }
0x88: {  	v3 =	vor.u32 v3, v4  }
0x89: {  	v4 =	vperm.xlane v3, v0;
	_ =	sdelay $0x1  }
0x8a: {  	v4 =	vadd.s32 v1, v4;
	_ =	sdelay $0x4  }
0x8b: {  	[hbm4b:s3+s2] =	stream.indirect_vreg.scatter [tilespmem:s9], [sflag:$0x3], $0x80, v4, vm0, $0xb8;
	[tilespmem:$0x10200] =	vst v63  }
0x8c: {  	s0 =	simm.s32 $0x8A00;
	v3 =	vperm.xlane v3, v2  }
0x8d: {  	[hbm4b:s4+s2] =	stream.indirect_vreg.scatter [tilespmem:s0], [sflag:$0x3], $0x80, v4, vm0, $0xb8;
	[tilespmem:$0x10200] =	vst v63  }
0x8e: {  	s1 =	simm.s32 $0x9200;
	v3 =	vadd.s32 v1, v3  }
0x8f: {  	[hbm4b:s5+s2] =	stream.indirect_vreg.scatter [tilespmem:s1], [sflag:$0x3], $0x80, v4, vm0, $0xb8;
	[tilespmem:$0x10200] =	vst v63  }
0x90: {  	s12 =	simm.s32 $0x9A00  }
0x91: {  	[hbm4b:s6+s2] =	stream.indirect_vreg.scatter [tilespmem:s12], [sflag:$0x3], $0x80, v4, vm0, $0xb8;
	[tilespmem:$0x10200] =	vst v63  }
0x92: {  	s13 =	simm.s32 $0xA200  }
0x93: {  	[hbm4b:s3+s2] =	stream.indirect_vreg.scatter [tilespmem:s13], [sflag:$0x3], $0x80, v3, vm0, $0xb8;
	[tilespmem:$0x10200] =	vst v63  }
0x94: {  	s14 =	simm.s32 $0xAA00  }
0x95: {  	[hbm4b:s4+s2] =	stream.indirect_vreg.scatter [tilespmem:s14], [sflag:$0x3], $0x80, v3, vm0, $0xb8;
	[tilespmem:$0x10200] =	vst v63  }
0x96: {  	s15 =	simm.s32 $0xB200  }
0x97: {  	[hbm4b:s5+s2] =	stream.indirect_vreg.scatter [tilespmem:s15], [sflag:$0x3], $0x80, v3, vm0, $0xb8;
	[tilespmem:$0x10200] =	vst v63  }
0x98: {  	s16 =	simm.s32 $0xBA00  }
0x99: {  	[hbm4b:s6+s2] =	stream.indirect_vreg.scatter [tilespmem:s16], [sflag:$0x3], $0x80, v3, vm0, $0xb8;
	[tilespmem:$0x10200] =	vst v63  }
0x9a: {  	v3 =	vld [tilespmem:$0x90];
	_ =	sdelay $0x4  }
0x9b: {  	v61 =	vshll.u32 v3, $0x3  }
0x9c: {  	v3 =	vand.u32 $0x7, v3;
	v4 =	vand.u32 $0xFFFFFFC0, v61  }
0x9d: {  	v3 =	vor.u32 v3, v4  }
0x9e: {  	v4 =	vperm.xlane v3, v0;
	_ =	sdelay $0x1  }
0x9f: {  	v4 =	vadd.s32 v1, v4;
	_ =	sdelay $0x3  }
0xa0: {  	s17 =	simm.s32 $0xC200  }
0xa1: {  	[hbm4b:s3+s2] =	stream.indirect_vreg.scatter [tilespmem:s17], [sflag:$0x3], $0x80, v4, vm0, $0xb8;
	[tilespmem:$0x10200] =	vst v63  }
0xa2: {  	s23 =	simm.s32 $0xCA00;
	v3 =	vperm.xlane v3, v2  }
0xa3: {  	[hbm4b:s4+s2] =	stream.indirect_vreg.scatter [tilespmem:s23], [sflag:$0x3], $0x80, v4, vm0, $0xb8;
	[tilespmem:$0x10200] =	vst v63  }
0xa4: {  	s24 =	simm.s32 $0xD200;
	v3 =	vadd.s32 v1, v3  }
0xa5: {  	[hbm4b:s5+s2] =	stream.indirect_vreg.scatter [tilespmem:s24], [sflag:$0x3], $0x80, v4, vm0, $0xb8;
	[tilespmem:$0x10200] =	vst v63  }
0xa6: {  	s25 =	simm.s32 $0xDA00  }
0xa7: {  	[hbm4b:s6+s2] =	stream.indirect_vreg.scatter [tilespmem:s25], [sflag:$0x3], $0x80, v4, vm0, $0xb8;
	[tilespmem:$0x10200] =	vst v63  }
0xa8: {  	_ = 	snop  }
0xa9: {  	[hbm4b:s3+s2] =	stream.indirect_vreg.scatter [tilespmem:s18], [sflag:$0x3], $0x80, v3, vm0, $0xb8;
	[tilespmem:$0x10200] =	vst v63  }
0xaa: {  	_ = 	snop  }
0xab: {  	[hbm4b:s4+s2] =	stream.indirect_vreg.scatter [tilespmem:s19], [sflag:$0x3], $0x80, v3, vm0, $0xb8;
	[tilespmem:$0x10200] =	vst v63  }
0xac: {  	_ = 	snop  }
0xad: {  	[hbm4b:s5+s2] =	stream.indirect_vreg.scatter [tilespmem:s20], [sflag:$0x3], $0x80, v3, vm0, $0xb8;
	[tilespmem:$0x10200] =	vst v63  }
0xae: {  	_ = 	snop  }
0xaf: {  	[hbm4b:s6+s2] =	stream.indirect_vreg.scatter [tilespmem:s21], [sflag:$0x3], $0x80, v3, vm0, $0xb8;
	[tilespmem:$0x10200] =	vst v63  }
0xb0: {  	v3 =	vld [tilespmem:$0x180];
	_ =	sdelay $0x4  }
0xb1: {  	v62 =	vshll.u32 v3, $0x3  }
0xb2: {  	v3 =	vand.u32 $0x7, v3;
	v4 =	vand.u32 $0xFFFFFFC0, v62  }
0xb3: {  	v3 =	vor.u32 v3, v4  }
0xb4: {  	v4 =	vperm.xlane v3, v0;
	_ =	sdelay $0x1  }
0xb5: {  	v4 =	vadd.s32 v1, v4;
	_ =	sdelay $0x4  }
0xb6: {  	[hbm4b:s3+s2] =	stream.indirect_vreg.scatter [tilespmem:s9], [sflag:$0x3], $0x80, v4, vm0, $0xb8;
	[tilespmem:$0x10200] =	vst v63  }
0xb7: {  	v3 =	vperm.xlane v3, v2  }
0xb8: {  	[hbm4b:s4+s2] =	stream.indirect_vreg.scatter [tilespmem:s0], [sflag:$0x3], $0x80, v4, vm0, $0xb8;
	[tilespmem:$0x10200] =	vst v63  }
0xb9: {  	v3 =	vadd.s32 v1, v3  }
0xba: {  	[hbm4b:s5+s2] =	stream.indirect_vreg.scatter [tilespmem:s1], [sflag:$0x3], $0x80, v4, vm0, $0xb8;
	[tilespmem:$0x10200] =	vst v63  }
0xbb: {  	_ = 	snop  }
0xbc: {  	[hbm4b:s6+s2] =	stream.indirect_vreg.scatter [tilespmem:s12], [sflag:$0x3], $0x80, v4, vm0, $0xb8;
	[tilespmem:$0x10200] =	vst v63  }
0xbd: {  	_ = 	snop  }
0xbe: {  	[hbm4b:s3+s2] =	stream.indirect_vreg.scatter [tilespmem:s13], [sflag:$0x3], $0x80, v3, vm0, $0xb8;
	[tilespmem:$0x10200] =	vst v63  }
0xbf: {  	_ = 	snop  }
0xc0: {  	[hbm4b:s4+s2] =	stream.indirect_vreg.scatter [tilespmem:s14], [sflag:$0x3], $0x80, v3, vm0, $0xb8;
	[tilespmem:$0x10200] =	vst v63  }
0xc1: {  	_ = 	snop  }
0xc2: {  	[hbm4b:s5+s2] =	stream.indirect_vreg.scatter [tilespmem:s15], [sflag:$0x3], $0x80, v3, vm0, $0xb8;
	[tilespmem:$0x10200] =	vst v63  }
0xc3: {  	_ = 	snop  }
0xc4: {  	[hbm4b:s6+s2] =	stream.indirect_vreg.scatter [tilespmem:s16], [sflag:$0x3], $0x80, v3, vm0, $0xb8;
	[tilespmem:$0x10200] =	vst v63  }
0xc5: {  	v3 =	vld [tilespmem:$0x190];
	_ =	sdelay $0x4  }
0xc6: {  	v63 =	vshll.u32 v3, $0x3  }
0xc7: {  	v3 =	vand.u32 $0x7, v3;
	v4 =	vand.u32 $0xFFFFFFC0, v63  }
0xc8: {  	v3 =	vor.u32 v3, v4  }
0xc9: {  	v4 =	vperm.xlane v3, v0;
	_ =	sdelay $0x1  }
0xca: {  	v4 =	vadd.s32 v1, v4;
	_ =	sdelay $0x4  }
0xcb: {  	[hbm4b:s3+s2] =	stream.indirect_vreg.scatter [tilespmem:s17], [sflag:$0x3], $0x80, v4, vm0, $0xb8;
	[tilespmem:$0x10200] =	vst v63  }
0xcc: {  	v3 =	vperm.xlane v3, v2  }
0xcd: {  	[hbm4b:s4+s2] =	stream.indirect_vreg.scatter [tilespmem:s23], [sflag:$0x3], $0x80, v4, vm0, $0xb8;
	[tilespmem:$0x10200] =	vst v63  }
0xce: {  	v3 =	vadd.s32 v1, v3  }
0xcf: {  	[hbm4b:s5+s2] =	stream.indirect_vreg.scatter [tilespmem:s24], [sflag:$0x3], $0x80, v4, vm0, $0xb8;
	[tilespmem:$0x10200] =	vst v63  }
0xd0: {  	_ = 	snop  }
0xd1: {  	[hbm4b:s6+s2] =	stream.indirect_vreg.scatter [tilespmem:s25], [sflag:$0x3], $0x80, v4, vm0, $0xb8;
	[tilespmem:$0x10200] =	vst v63  }
0xd2: {  	_ = 	snop  }
0xd3: {  	[hbm4b:s3+s2] =	stream.indirect_vreg.scatter [tilespmem:s18], [sflag:$0x3], $0x80, v3, vm0, $0xb8;
	[tilespmem:$0x10200] =	vst v63  }
0xd4: {  	_ = 	snop  }
0xd5: {  	[hbm4b:s4+s2] =	stream.indirect_vreg.scatter [tilespmem:s19], [sflag:$0x3], $0x80, v3, vm0, $0xb8;
	[tilespmem:$0x10200] =	vst v63  }
0xd6: {  	_ = 	snop  }
0xd7: {  	[hbm4b:s5+s2] =	stream.indirect_vreg.scatter [tilespmem:s20], [sflag:$0x3], $0x80, v3, vm0, $0xb8;
	[tilespmem:$0x10200] =	vst v63  }
0xd8: {  	_ = 	snop  }
0xd9: {  	[hbm4b:s6+s2] =	stream.indirect_vreg.scatter [tilespmem:s21], [sflag:$0x3], $0x80, v3, vm0, $0xb8;
	[tilespmem:$0x10200] =	vst v63  }
0xda: {  	_ =	swait.ge [sflag:s22], $0x8000  }
0xdb: {  	[sflag:s22] =	ssyncset.done $0x0  }
0xdc: {  	[sflag:s22] =	ssyncadd.s32 $0xFFFF8000  }
0xdd: {  	_ =	swait.ge [sflag:s22], $0x8000  }
0xde: {  	[sflag:s22] =	ssyncset.done $0x0  }
0xdf: {  	[sflag:s22] =	ssyncadd.s32 $0xFFFF8000  }
0xe0: {  	p0 =	sne.s32 s7, $0x1;
	_ =	swait.ge [sflag:s22], $0x8000  }
.Ltmp0:
0xe1: {  	[sflag:s22] =	ssyncset.done $0x0;
	(pc) =	sbr.rel @p0 .LBB2_1-.Ltmp0, $4  }
0xe2: {  	[sflag:s22] =	ssyncadd.s32 $0xFFFF8000  }
0xe3: {  	_ =	swait.ge [sflag:s22], $0x8000  }
0xe4: {  	[sflag:s22] =	ssyncset.done $0x0  }
0xe5: {  	s7 =	sadd.s32 $0xFFFFFFFF, s7;
	[sflag:s22] =	ssyncadd.s32 $0xFFFF8000  }
0xe6: {  	_ =	sfence.sel $0x180000  }
0xe7: {  	[bflag:$0x0] =	sbarrier.arrive $0xFFFF  }
0xe8: {  	_ =	strace $0x90000047  }
0xe9: {  	s0 =	stileid.u32;
	[bflag:$0x2] =	sbarrier.arrive $0xFFFF  }
0xea: {  	p0 =	sne.s32 s0, $0x0;
	s0 =	rddreg [dreg:$0x2]  }
0xeb: {  	s0 =	sadd.s32 @!p0 $0x100000, s0  }
0xec: {  	[sflag:s0] =	ssyncadd.tile.s32 @!p0 $0x1;
	_ =	shalt  }
.Lfunc_end2:
_tile_overlayer_lowered:
.L_overlay_start_2:
0xed: {  	(tag) =	ssettag $0x2  }
0xee: {  	s0 =	rddreg [dreg:$0x0];
	s2 =	stileid.u32  }
0xef: {  	s1 =	rddreg [dreg:$0x1];
	p0 =	sne.s32 s2, $0x0  }
0xf0: {  	s3 =	rddreg [dreg:$0x2];
	[bflag:$0x3] =	sbarrier.arrive $0xFFFF;
	s2 =	simm.s32 @!p0 $0x1C04  }
0xf1: {  	[timem:s3], [sflag:s2] =	dma.local @!p0 [hbm:s0], s1  }
0xf2: {  	s0 =	simm.s32 @!p0 $0x4  }
0xf3: {  	_ =	swait.ge @!p0 [sflag:s0], s1  }
0xf4: {  	s1 =	ssub.s32 @!p0 $0x0, s1;
	[sflag:s0] =	ssyncset.done @!p0 $0x0  }
0xf5: {  	[sflag:s0] =	ssyncadd.s32 @!p0 s1  }
0xf6: {  	[bflag:$0x3] =	sbarrier.arrive $0xFFFF  }
0xf7: {  	_ =	shalt  }

</sc_bundles>
